<compile_context>
chip_gen: v7x
topology: tpu7x:2x2x1
jax: 0.10.2.dev20260603
libtpu: 0.0.44.dev20260713+nightly
codegen_flags: <defaults>
</compile_context>

<pallas_src>
import functools

import jax
import jax.numpy as jnp
from jax import lax
from jax.experimental import pallas as pl
from jax.experimental.pallas import tpu as pltpu
from jax.experimental.pallas import tpu_sc as plsc

N_ITEMS = 100000
D = 128
L = 200
H = 4
DH = D // H
NB = 2
B = 1024

BT = 8
SC_CHUNK = 256



def _sc_gather(table, idx_flat):
    R = idx_flat.shape[0]
    info = plsc.get_sparse_core_info()
    nw = info.num_cores * info.num_subcores
    per_w = R // nw
    n_ch = per_w // SC_CHUNK
    mesh = plsc.VectorSubcoreMesh(core_axis_name="c", subcore_axis_name="s")

    @functools.partial(
        pl.kernel,
        mesh=mesh,
        out_type=jax.ShapeDtypeStruct((R, D), jnp.float32),
        scratch_types=[
            pltpu.VMEM((SC_CHUNK,), jnp.int32),
            pltpu.VMEM((SC_CHUNK, D), jnp.float32),
            pltpu.SemaphoreType.DMA,
        ],
    )
    def gather_kernel(table_hbm, idx_hbm, out_hbm, idx_v, rows_v, sem):
        wid = lax.axis_index("s") * info.num_cores + lax.axis_index("c")
        base = wid * per_w

        def body(i, carry):
            off = base + i * SC_CHUNK
            pltpu.sync_copy(idx_hbm.at[pl.ds(off, SC_CHUNK)], idx_v)
            pltpu.async_copy(table_hbm.at[idx_v], rows_v, sem).wait()
            pltpu.sync_copy(rows_v, out_hbm.at[pl.ds(off, SC_CHUNK)])
            return carry

        lax.fori_loop(0, n_ch, body, 0)

    return gather_kernel(table, idx_flat)



def _ln(x, g, b, eps=1e-5):
    m = jnp.mean(x, axis=-1, keepdims=True)
    c = x - m
    v = jnp.mean(c * c, axis=-1, keepdims=True)
    return c * jax.lax.rsqrt(v + eps) * g + b


def _bdot(a, b, dims):
    return lax.dot_general(a.astype(jnp.bfloat16), b.astype(jnp.bfloat16),
                           dims, preferred_element_type=jnp.float32)


def _mm(a, b):
    return jnp.dot(a.astype(jnp.bfloat16), b,
                   preferred_element_type=jnp.float32)


def _tc_body(x_ref, pos_ref, wq_ref, wkv_ref, wo_ref, w1_ref, w2_ref,
             vec_ref, o_ref):
    x = x_ref[...].reshape(BT * L, D)
    pos = pos_ref[...]
    x = (x.reshape(BT, L, D) + pos[None]).reshape(BT * L, D)

    scale = 1.0 / (DH ** 0.5)
    row = lax.broadcasted_iota(jnp.int32, (L, L), 0)
    col = lax.broadcasted_iota(jnp.int32, (L, L), 1)
    mask_bias = jnp.where(col <= row, 0.0, -1e30)[None]

    for nb in range(NB):
        vbase = nb * 10
        q = _ln(x, vec_ref[vbase + 4], vec_ref[vbase + 5])
        Q = _mm(q, wq_ref[nb]) + vec_ref[vbase + 0]
        KV = _mm(x, wkv_ref[nb])
        K = KV[:, :D] + vec_ref[vbase + 1]
        V = KV[:, D:] + vec_ref[vbase + 2]
        Q = Q * scale

        outs = []
        for h in range(H):
            sl = slice(h * DH, (h + 1) * DH)
            Qh = Q[:, sl].reshape(BT, L, DH)
            Kh = K[:, sl].reshape(BT, L, DH)
            Vh = V[:, sl].reshape(BT, L, DH)
            s = _bdot(Qh, Kh, (((2,), (2,)), ((0,), (0,))))
            e = jnp.exp(s + mask_bias)
            denom = jnp.sum(e, axis=-1, keepdims=True)
            oh = _bdot(e, Vh, (((2,), (1,)), ((0,), (0,))))
            oh = oh / denom
            outs.append(oh.reshape(BT * L, DH))
        ao = jnp.concatenate(outs, axis=-1)
        mha = _mm(ao, wo_ref[nb]) + vec_ref[vbase + 3]
        x = q + mha

        ff_in = _ln(x, vec_ref[vbase + 6], vec_ref[vbase + 7])
        h1 = jnp.maximum(_mm(ff_in, w1_ref[nb]) + vec_ref[vbase + 8], 0.0)
        ff = _mm(h1, w2_ref[nb]) + vec_ref[vbase + 9]
        x = ff + ff_in

    out = _ln(x, vec_ref[NB * 10], vec_ref[NB * 10 + 1])
    o_ref[...] = out.reshape(BT, L, D)


def _tc_transformer(seqs, pos, wq, wkv, wo, w1, w2, vecs):
    grid = B // BT
    return pl.pallas_call(
        _tc_body,
        grid=(grid,),
        in_specs=[
            pl.BlockSpec((BT, L, D), lambda i: (i, 0, 0)),
            pl.BlockSpec((L, D), lambda i: (0, 0)),
            pl.BlockSpec((NB, D, D), lambda i: (0, 0, 0)),
            pl.BlockSpec((NB, D, 2 * D), lambda i: (0, 0, 0)),
            pl.BlockSpec((NB, D, D), lambda i: (0, 0, 0)),
            pl.BlockSpec((NB, D, D), lambda i: (0, 0, 0)),
            pl.BlockSpec((NB, D, D), lambda i: (0, 0, 0)),
            pl.BlockSpec((NB * 10 + 2, D), lambda i: (0, 0)),
        ],
        out_specs=pl.BlockSpec((BT, L, D), lambda i: (i, 0, 0)),
        out_shape=jax.ShapeDtypeStruct((B, L, D), jnp.float32),
    )(seqs, pos, wq, wkv, wo, w1, w2, vecs)


def _pack_params(params):
    wq_l, wkv_l, wo_l, w1_l, w2_l = [], [], [], [], []
    vec_rows = []
    for blk in params['blocks']:
        w = blk['in_proj_w']
        wq_l.append(w[:D].T)
        wkv_l.append(jnp.concatenate([w[D:2 * D].T, w[2 * D:].T], axis=1))
        wo_l.append(blk['out_proj_w'].T)
        w1_l.append(blk['ff_w1'].T)
        w2_l.append(blk['ff_w2'].T)
        b = blk['in_proj_b']
        vec_rows += [b[:D], b[D:2 * D], b[2 * D:], blk['out_proj_b'],
                     blk['q_ln_g'], blk['q_ln_b'], blk['ff_ln_g'],
                     blk['ff_ln_b'], blk['ff_b1'], blk['ff_b2']]
    vec_rows += [params['last_ln_g'], params['last_ln_b']]
    bf = jnp.bfloat16
    return (jnp.stack(wq_l).astype(bf), jnp.stack(wkv_l).astype(bf),
            jnp.stack(wo_l).astype(bf), jnp.stack(w1_l).astype(bf),
            jnp.stack(w2_l).astype(bf), jnp.stack(vec_rows))


def kernel(sessions, params):
    idx_flat = sessions.reshape(B * L).astype(jnp.int32)
    seqs = _sc_gather(params['item_emb'], idx_flat).reshape(B, L, D)
    pos = params['pos_emb'][::-1]
    wq, wkv, wo, w1, w2, vecs = _pack_params(params)
    return _tc_transformer(seqs, pos, wq, wkv, wo, w1, w2, vecs)

# --- scband reference (transcript-rebuilt; emitter-appended) ---
"""Pipeline reference for scband-transformer-based-session-encoder-3418793968023 (READ-ONLY COPY).

The authoritative reference and input builder live on the scoring server;
editing this copy changes nothing except your own understanding.
"""

import jax, jax.numpy as jnp
import numpy as np

N_ITEMS = 100000
D = 128
L = 200
H = 4
NB = 2
B = 1024


def _init_params(key):
    ks = jax.random.split(key, 16)
    def nrm(k, shape, s=0.02):
        return jax.random.normal(k, shape, dtype=jnp.float32) * s
    item_emb = nrm(ks[0], (N_ITEMS, D)).at[0].set(0.0)  # padding_idx=0
    pos_emb = nrm(ks[1], (L, D))
    blocks = []
    i = 2
    for _ in range(NB):
        blk = {
            'in_proj_w': nrm(ks[i], (3 * D, D)),
            'in_proj_b': jnp.zeros((3 * D,), jnp.float32),
            'out_proj_w': nrm(ks[i + 1], (D, D)),
            'out_proj_b': jnp.zeros((D,), jnp.float32),
            'q_ln_g': jnp.ones((D,), jnp.float32), 'q_ln_b': jnp.zeros((D,), jnp.float32),
            'ff_ln_g': jnp.ones((D,), jnp.float32), 'ff_ln_b': jnp.zeros((D,), jnp.float32),
            'ff_w1': nrm(ks[i + 2], (D, D)), 'ff_b1': jnp.zeros((D,), jnp.float32),
            'ff_w2': nrm(ks[i + 3], (D, D)), 'ff_b2': jnp.zeros((D,), jnp.float32),
        }
        i += 4
        blocks.append(blk)
    return {
        'item_emb': item_emb,
        'pos_emb': pos_emb,
        'blocks': blocks,
        'last_ln_g': jnp.ones((D,), jnp.float32),
        'last_ln_b': jnp.zeros((D,), jnp.float32),
    }


def setup_inputs(seed: int = 0) -> dict:
    key = jax.random.key(seed)
    k1, k2 = jax.random.split(key)
    sessions = jax.random.randint(k1, (B, L), 0, N_ITEMS)
    params = _init_params(k2)
    return {'sessions': sessions, 'params': params}


def _layer_norm(x, g, b, eps=1e-5):
    m = jnp.mean(x, axis=-1, keepdims=True)
    v = jnp.var(x, axis=-1, keepdims=True)
    return (x - m) / jnp.sqrt(v + eps) * g + b


def _mha(q, kv, blk, attn_mask):
    Bq, Lq, Dq = q.shape
    wq, wk, wv = jnp.split(blk['in_proj_w'], 3, axis=0)
    bq, bk, bv = jnp.split(blk['in_proj_b'], 3, axis=0)
    Q = q @ wq.T + bq
    K = kv @ wk.T + bk
    V = kv @ wv.T + bv
    dh = Dq // H
    def sp(x):
        return x.reshape(Bq, Lq, H, dh).transpose(0, 2, 1, 3)
    Qh, Kh, Vh = sp(Q), sp(K), sp(V)
    scores = (Qh @ Kh.transpose(0, 1, 3, 2)) / jnp.sqrt(dh).astype(jnp.float32)
    scores = jnp.where(attn_mask[None, None, :, :], -jnp.inf, scores)
    attn = jax.nn.softmax(scores, axis=-1)
    out = (attn @ Vh).transpose(0, 2, 1, 3).reshape(Bq, Lq, Dq)
    return out @ blk['out_proj_w'].T + blk['out_proj_b']


def _forward(params, sessions):
    # item_model.get_all_embeddings(): IdEmbeddingsItemNet over full catalog (dropout=identity in eval)
    item_embs = params['item_emb']
    # encode_sessions: gather session item embeddings
    seqs = jnp.take(item_embs, sessions, axis=0)  # [B, L, D]
    # LearnableInversePositionalEncoding: last item gets position 0
    positions = jnp.arange(L - 1, -1, -1)
    seqs = seqs + jnp.take(params['pos_emb'], positions, axis=0)[None, :, :]
    # causal attention mask (True = masked)
    attn_mask = ~jnp.tril(jnp.ones((L, L), dtype=bool))
    # SASRecTransformerLayers
    for blk in params['blocks']:
        q = _layer_norm(seqs, blk['q_ln_g'], blk['q_ln_b'])
        mha_out = _mha(q, seqs, blk, attn_mask)
        seqs = q + mha_out
        ff_in = _layer_norm(seqs, blk['ff_ln_g'], blk['ff_ln_b'])
        ff = jax.nn.relu(ff_in @ blk['ff_w1'].T + blk['ff_b1']) @ blk['ff_w2'].T + blk['ff_b2']
        seqs = ff + ff_in
    return _layer_norm(seqs, params['last_ln_g'], params['last_ln_b'])


def reference(sessions, params):
    return _forward(params, sessions)

if __name__ == "__main__":
    import jax
    _d = setup_inputs()
    print(jax.jit(kernel)(*tuple(_d.values())))

</pallas_src>

<mosaic_0001>
#map = affine_map<(d0, d1) -> (0, 0)>
#map1 = affine_map<(d0, d1) -> (0)>
module attributes {stable_mosaic.version = 14 : i64} {
  func.func @gather_kernel(%arg0: i32, %arg1: i32, %arg2: memref<100000x128xf32, #tpu.memory_space<hbm>>, %arg3: memref<204800xi32, #tpu.memory_space<hbm>>, %arg4: memref<204800x128xf32, #tpu.memory_space<hbm>>, %arg5: memref<256xi32, #tpu.memory_space<vmem>>, %arg6: memref<256x128xf32, #tpu.memory_space<vmem>>, %arg7: memref<!tpu.dma_semaphore, #tpu.memory_space<semaphore_mem>>) attributes {dimension_semantics = [#tpu.dimension_semantics<core_parallel>, #tpu.dimension_semantics<subcore_parallel>], iteration_bounds = array<i64: 2, 16>, scalar_prefetch = 0 : i64, scratch_operands = 3 : i64, tpu.core_type = #tpu.core_type<sc_vector_subcore>, window_params = [{transform_indices = #map}, {transform_indices = #map1}, {transform_indices = #map}]} {
    %mul3A = arith.constant 2 : i32
    %mul3A_0 = arith.muli %arg1, %mul3A : i32
    %add3A = arith.addi %mul3A_0, %arg0 : i32
    %mul3A_1 = arith.constant 6400 : i32
    %mul3A_2 = arith.muli %add3A, %mul3A_1 : i32
    %scan3A = arith.constant 0 : i32
    %scan3A_3 = arith.constant 0 : i32
    %scan3A_4 = arith.constant 25 : i32
    %scan3A_5 = arith.addi %scan3A_3, %scan3A_4 : i32
    %scan3A_6 = arith.constant 1 : i32
    scf.for %scan3A_8 = %scan3A_3 to %scan3A_5 step %scan3A_6  : i32 {
      %mul3A_9 = arith.constant 256 : i32
      %mul3A_10 = arith.muli %scan3A_8, %mul3A_9 : i32
      %add3A_11 = arith.addi %mul3A_2, %mul3A_10 : i32
      "tpu.region"() ({
        %run_scoped3A = tpu.sem_alloc : memref<!tpu.dma_semaphore, #tpu.memory_space<semaphore_mem>>
        %dma_start3A_16 = tpu.memref_slice %arg3[%add3A_11] : memref<204800xi32, #tpu.memory_space<hbm>> -> memref<256xi32, #tpu.memory_space<hbm>>
        %dma_start3A_17 = tpu.memref_slice %arg3[%add3A_11] : memref<204800xi32, #tpu.memory_space<hbm>> -> memref<256xi32, #tpu.memory_space<hbm>>
        tpu.enqueue_dma source(%dma_start3A_17 : memref<256xi32, #tpu.memory_space<hbm>>) target(%arg5 : memref<256xi32, #tpu.memory_space<vmem>>) target_semaphore(%run_scoped3A : memref<!tpu.dma_semaphore, #tpu.memory_space<semaphore_mem>>)
        %dma_wait3A_18 = tpu.memref_slice %arg3[%add3A_11] : memref<204800xi32, #tpu.memory_space<hbm>> -> memref<256xi32, #tpu.memory_space<hbm>>
        %dma_wait3A_19 = tpu.memref_slice %arg3[%add3A_11] : memref<204800xi32, #tpu.memory_space<hbm>> -> memref<256xi32, #tpu.memory_space<hbm>>
        tpu.wait_dma2 semaphore(%run_scoped3A : memref<!tpu.dma_semaphore, #tpu.memory_space<semaphore_mem>>) src(%dma_wait3A_19 : memref<256xi32, #tpu.memory_space<hbm>>) dst(%arg5 : memref<256xi32, #tpu.memory_space<vmem>>)
        tpu.yield
      }) : () -> ()
      %dma_start3A = arith.constant 0 : i32
      %dma_start3A_12 = arith.constant 0 : i32
      %dma_start3A_13 = tpu.memref_slice %arg2[%dma_start3A, %dma_start3A_12] : memref<100000x128xf32, #tpu.memory_space<hbm>> -> memref<100000x128xf32, #tpu.memory_space<hbm>>
      tpu.enqueue_indirect_dma source(%dma_start3A_13 : memref<100000x128xf32, #tpu.memory_space<hbm>>) target(%arg6 : memref<256x128xf32, #tpu.memory_space<vmem>>) offsets(%arg5 : memref<256xi32, #tpu.memory_space<vmem>>) semaphore(%arg7 : memref<!tpu.dma_semaphore, #tpu.memory_space<semaphore_mem>>)
      %dma_wait3A = arith.constant 0 : i32
      %dma_wait3A_14 = arith.constant 0 : i32
      %dma_wait3A_15 = tpu.memref_slice %arg2[%dma_wait3A, %dma_wait3A_14] : memref<100000x128xf32, #tpu.memory_space<hbm>> -> memref<100000x128xf32, #tpu.memory_space<hbm>>
      tpu.wait_indirect_dma semaphore(%arg7 : memref<!tpu.dma_semaphore, #tpu.memory_space<semaphore_mem>>) src(%dma_wait3A_15 : memref<100000x128xf32, #tpu.memory_space<hbm>>) dst(%arg6 : memref<256x128xf32, #tpu.memory_space<vmem>>)
      "tpu.region"() ({
        %run_scoped3A = tpu.sem_alloc : memref<!tpu.dma_semaphore, #tpu.memory_space<semaphore_mem>>
        %dma_start3A_16 = arith.constant 0 : i32
        %dma_start3A_17 = tpu.memref_slice %arg4[%add3A_11, %dma_start3A_16] : memref<204800x128xf32, #tpu.memory_space<hbm>> -> memref<256x128xf32, #tpu.memory_space<hbm>>
        %dma_start3A_18 = arith.constant 0 : i32
        %dma_start3A_19 = tpu.memref_slice %arg4[%add3A_11, %dma_start3A_18] : memref<204800x128xf32, #tpu.memory_space<hbm>> -> memref<256x128xf32, #tpu.memory_space<hbm>>
        tpu.enqueue_dma source(%arg6 : memref<256x128xf32, #tpu.memory_space<vmem>>) target(%dma_start3A_19 : memref<256x128xf32, #tpu.memory_space<hbm>>) target_semaphore(%run_scoped3A : memref<!tpu.dma_semaphore, #tpu.memory_space<semaphore_mem>>)
        %dma_wait3A_20 = arith.constant 0 : i32
        %dma_wait3A_21 = tpu.memref_slice %arg4[%add3A_11, %dma_wait3A_20] : memref<204800x128xf32, #tpu.memory_space<hbm>> -> memref<256x128xf32, #tpu.memory_space<hbm>>
        %dma_wait3A_22 = arith.constant 0 : i32
        %dma_wait3A_23 = tpu.memref_slice %arg4[%add3A_11, %dma_wait3A_22] : memref<204800x128xf32, #tpu.memory_space<hbm>> -> memref<256x128xf32, #tpu.memory_space<hbm>>
        tpu.wait_dma2 semaphore(%run_scoped3A : memref<!tpu.dma_semaphore, #tpu.memory_space<semaphore_mem>>) src(%arg6 : memref<256x128xf32, #tpu.memory_space<vmem>>) dst(%dma_wait3A_23 : memref<256x128xf32, #tpu.memory_space<hbm>>)
        tpu.yield
      }) : () -> ()
    }
    %scan3A_7 = arith.constant 25 : i32
    return
  }
}

module attributes {stable_mosaic.version = 14 : i64} {
  func.func @_tc_body(%arg0: i32, %arg1: memref<8x200x128xf32, #tpu.memory_space<vmem>>, %arg2: memref<200x128xf32, #tpu.memory_space<vmem>>, %arg3: memref<2x128x128xbf16, #tpu.memory_space<vmem>>, %arg4: memref<2x128x256xbf16, #tpu.memory_space<vmem>>, %arg5: memref<2x128x128xbf16, #tpu.memory_space<vmem>>, %arg6: memref<2x128x128xbf16, #tpu.memory_space<vmem>>, %arg7: memref<2x128x128xbf16, #tpu.memory_space<vmem>>, %arg8: memref<22x128xf32, #tpu.memory_space<vmem>>, %arg9: memref<8x200x128xf32, #tpu.memory_space<vmem>>) attributes {dimension_semantics = [#tpu.dimension_semantics<arbitrary>], iteration_bounds = array<i64: 128>, scalar_prefetch = 0 : i64, scratch_operands = 0 : i64, tpu.core_type = #tpu.core_type<tc>, window_params = [{transform_indices = @transform_0, window_bounds = array<i64: 8, 200, 128>}, {pipeline_mode = #tpu.pipeline_mode<synchronous>, transform_indices = @transform_1, window_bounds = array<i64: 200, 128>}, {pipeline_mode = #tpu.pipeline_mode<synchronous>, transform_indices = @transform_2, window_bounds = array<i64: 2, 128, 128>}, {pipeline_mode = #tpu.pipeline_mode<synchronous>, transform_indices = @transform_3, window_bounds = array<i64: 2, 128, 256>}, {pipeline_mode = #tpu.pipeline_mode<synchronous>, transform_indices = @transform_4, window_bounds = array<i64: 2, 128, 128>}, {pipeline_mode = #tpu.pipeline_mode<synchronous>, transform_indices = @transform_5, window_bounds = array<i64: 2, 128, 128>}, {pipeline_mode = #tpu.pipeline_mode<synchronous>, transform_indices = @transform_6, window_bounds = array<i64: 2, 128, 128>}, {pipeline_mode = #tpu.pipeline_mode<synchronous>, transform_indices = @transform_7, window_bounds = array<i64: 22, 128>}, {transform_indices = @transform_8, window_bounds = array<i64: 8, 200, 128>}]} {
    %get3A = arith.constant 0 : index
    %get3A_0 = arith.constant 0 : index
    %get3A_1 = arith.constant 0 : index
    %get3A_2 = vector.load %arg1[%get3A, %get3A_0, %get3A_1] : memref<8x200x128xf32, #tpu.memory_space<vmem>>, vector<8x200x128xf32>
    %reshape3A = vector.shape_cast %get3A_2 : vector<8x200x128xf32> to vector<1600x128xf32>
    %get3A_3 = arith.constant 0 : index
    %get3A_4 = arith.constant 0 : index
    %get3A_5 = vector.load %arg2[%get3A_3, %get3A_4] : memref<200x128xf32, #tpu.memory_space<vmem>>, vector<200x128xf32>
    %reshape3A_6 = vector.shape_cast %reshape3A : vector<1600x128xf32> to vector<8x200x128xf32>
    %broadcast_in_dim3A = vector.shape_cast %get3A_5 : vector<200x128xf32> to vector<1x200x128xf32>
    %add3A = vector.broadcast %broadcast_in_dim3A : vector<1x200x128xf32> to vector<8x200x128xf32>
    %add3A_7 = arith.addf %reshape3A_6, %add3A : vector<8x200x128xf32>
    %reshape3A_8 = vector.shape_cast %add3A_7 : vector<8x200x128xf32> to vector<1600x128xf32>
    %iota3A = tpu.iota {dimensions = array<i32: 0>} : vector<200x200xi32>
    %iota3A_9 = tpu.iota {dimensions = array<i32: 1>} : vector<200x200xi32>
    %le3A = arith.cmpi sle, %iota3A_9, %iota3A : vector<200x200xi32>
    %jit3A = arith.constant 0.000000e+00 : f32
    %jit3A_10 = arith.constant -1.000000e+30 : f32
    %broadcast_in_dim3A_11 = vector.broadcast %jit3A : f32 to vector<200x200xf32>
    %broadcast_in_dim3A_12 = vector.broadcast %jit3A_10 : f32 to vector<200x200xf32>
    %select_n3A = arith.select %le3A, %broadcast_in_dim3A_11, %broadcast_in_dim3A_12 : vector<200x200xi1>, vector<200x200xf32>
    %broadcast_in_dim3A_13 = vector.shape_cast %select_n3A : vector<200x200xf32> to vector<1x200x200xf32>
    %get3A_14 = arith.constant 4 : index
    %get3A_15 = arith.constant 0 : index
    %get3A_16 = vector.load %arg8[%get3A_14, %get3A_15] : memref<22x128xf32, #tpu.memory_space<vmem>>, vector<1x128xf32>
    %get3A_17 = vector.shape_cast %get3A_16 : vector<1x128xf32> to vector<128xf32>
    %get3A_18 = arith.constant 5 : index
    %get3A_19 = arith.constant 0 : index
    %get3A_20 = vector.load %arg8[%get3A_18, %get3A_19] : memref<22x128xf32, #tpu.memory_space<vmem>>, vector<1x128xf32>
    %get3A_21 = vector.shape_cast %get3A_20 : vector<1x128xf32> to vector<128xf32>
    %reduce_sum3A = arith.constant dense<0.000000e+00> : vector<1600xf32>
    %reduce_sum3A_22 = vector.multi_reduction <add>, %reshape3A_8, %reduce_sum3A [1] : vector<1600x128xf32> to vector<1600xf32>
    %broadcast_in_dim3A_23 = vector.shape_cast %reduce_sum3A_22 : vector<1600xf32> to vector<1600x1xf32>
    %div3A = arith.constant 1.280000e+02 : f32
    %div3A_24 = vector.broadcast %div3A : f32 to vector<1600x1xf32>
    %div3A_25 = arith.divf %broadcast_in_dim3A_23, %div3A_24 : vector<1600x1xf32>
    %sub3A = vector.broadcast %div3A_25 : vector<1600x1xf32> to vector<1600x128xf32>
    %sub3A_26 = arith.subf %reshape3A_8, %sub3A : vector<1600x128xf32>
    %mul3A = arith.mulf %sub3A_26, %sub3A_26 : vector<1600x128xf32>
    %reduce_sum3A_27 = arith.constant dense<0.000000e+00> : vector<1600xf32>
    %reduce_sum3A_28 = vector.multi_reduction <add>, %mul3A, %reduce_sum3A_27 [1] : vector<1600x128xf32> to vector<1600xf32>
    %broadcast_in_dim3A_29 = vector.shape_cast %reduce_sum3A_28 : vector<1600xf32> to vector<1600x1xf32>
    %div3A_30 = arith.constant 1.280000e+02 : f32
    %div3A_31 = vector.broadcast %div3A_30 : f32 to vector<1600x1xf32>
    %div3A_32 = arith.divf %broadcast_in_dim3A_29, %div3A_31 : vector<1600x1xf32>
    %add3A_33 = arith.constant 9.99999974E-6 : f32
    %add3A_34 = vector.broadcast %add3A_33 : f32 to vector<1600x1xf32>
    %add3A_35 = arith.addf %div3A_32, %add3A_34 : vector<1600x1xf32>
    %rsqrt3A = math.rsqrt %add3A_35 : vector<1600x1xf32>
    %mul3A_36 = vector.broadcast %rsqrt3A : vector<1600x1xf32> to vector<1600x128xf32>
    %mul3A_37 = arith.mulf %sub3A_26, %mul3A_36 : vector<1600x128xf32>
    %broadcast_in_dim3A_38 = vector.shape_cast %get3A_17 : vector<128xf32> to vector<1x128xf32>
    %mul3A_39 = vector.broadcast %broadcast_in_dim3A_38 : vector<1x128xf32> to vector<1600x128xf32>
    %mul3A_40 = arith.mulf %mul3A_37, %mul3A_39 : vector<1600x128xf32>
    %broadcast_in_dim3A_41 = vector.shape_cast %get3A_21 : vector<128xf32> to vector<1x128xf32>
    %add3A_42 = vector.broadcast %broadcast_in_dim3A_41 : vector<1x128xf32> to vector<1600x128xf32>
    %add3A_43 = arith.addf %mul3A_40, %add3A_42 : vector<1600x128xf32>
    %get3A_44 = arith.constant 0 : index
    %get3A_45 = arith.constant 0 : index
    %get3A_46 = arith.constant 0 : index
    %get3A_47 = vector.load %arg3[%get3A_44, %get3A_45, %get3A_46] : memref<2x128x128xbf16, #tpu.memory_space<vmem>>, vector<1x128x128xbf16>
    %get3A_48 = vector.shape_cast %get3A_47 : vector<1x128x128xbf16> to vector<128x128xbf16>
    %convert_element_type3A = arith.truncf %add3A_43 : vector<1600x128xf32> to vector<1600x128xbf16>
    %dot_general3A = arith.constant dense<0.000000e+00> : vector<1600x128xf32>
    %dot_general3A_49 = tpu.matmul %convert_element_type3A, %get3A_48, %dot_general3A {dimension_numbers = #tpu.dot_dimension_numbers<[1], [0], [0], [1], [0, 0, 1, 1], [], []>, transpose_lhs_hint = false} : vector<1600x128xbf16>, vector<128x128xbf16>, vector<1600x128xf32> -> vector<1600x128xf32>
    %get3A_50 = arith.constant 0 : index
    %get3A_51 = arith.constant 0 : index
    %get3A_52 = vector.load %arg8[%get3A_50, %get3A_51] : memref<22x128xf32, #tpu.memory_space<vmem>>, vector<1x128xf32>
    %get3A_53 = vector.shape_cast %get3A_52 : vector<1x128xf32> to vector<128xf32>
    %broadcast_in_dim3A_54 = vector.shape_cast %get3A_53 : vector<128xf32> to vector<1x128xf32>
    %add3A_55 = vector.broadcast %broadcast_in_dim3A_54 : vector<1x128xf32> to vector<1600x128xf32>
    %add3A_56 = arith.addf %dot_general3A_49, %add3A_55 : vector<1600x128xf32>
    %get3A_57 = arith.constant 0 : index
    %get3A_58 = arith.constant 0 : index
    %get3A_59 = arith.constant 0 : index
    %get3A_60 = vector.load %arg4[%get3A_57, %get3A_58, %get3A_59] : memref<2x128x256xbf16, #tpu.memory_space<vmem>>, vector<1x128x256xbf16>
    %get3A_61 = vector.shape_cast %get3A_60 : vector<1x128x256xbf16> to vector<128x256xbf16>
    %convert_element_type3A_62 = arith.truncf %reshape3A_8 : vector<1600x128xf32> to vector<1600x128xbf16>
    %dot_general3A_63 = arith.constant dense<0.000000e+00> : vector<1600x256xf32>
    %dot_general3A_64 = tpu.matmul %convert_element_type3A_62, %get3A_61, %dot_general3A_63 {dimension_numbers = #tpu.dot_dimension_numbers<[1], [0], [0], [1], [0, 0, 1, 1], [], []>, transpose_lhs_hint = false} : vector<1600x128xbf16>, vector<128x256xbf16>, vector<1600x256xf32> -> vector<1600x256xf32>
    %slice3A = vector.extract_strided_slice %dot_general3A_64 {offsets = [0, 0], sizes = [1600, 128], strides = [1, 1]} : vector<1600x256xf32> to vector<1600x128xf32>
    %get3A_65 = arith.constant 1 : index
    %get3A_66 = arith.constant 0 : index
    %get3A_67 = vector.load %arg8[%get3A_65, %get3A_66] : memref<22x128xf32, #tpu.memory_space<vmem>>, vector<1x128xf32>
    %get3A_68 = vector.shape_cast %get3A_67 : vector<1x128xf32> to vector<128xf32>
    %broadcast_in_dim3A_69 = vector.shape_cast %get3A_68 : vector<128xf32> to vector<1x128xf32>
    %add3A_70 = vector.broadcast %broadcast_in_dim3A_69 : vector<1x128xf32> to vector<1600x128xf32>
    %add3A_71 = arith.addf %slice3A, %add3A_70 : vector<1600x128xf32>
    %slice3A_72 = vector.extract_strided_slice %dot_general3A_64 {offsets = [0, 128], sizes = [1600, 128], strides = [1, 1]} : vector<1600x256xf32> to vector<1600x128xf32>
    %get3A_73 = arith.constant 2 : index
    %get3A_74 = arith.constant 0 : index
    %get3A_75 = vector.load %arg8[%get3A_73, %get3A_74] : memref<22x128xf32, #tpu.memory_space<vmem>>, vector<1x128xf32>
    %get3A_76 = vector.shape_cast %get3A_75 : vector<1x128xf32> to vector<128xf32>
    %broadcast_in_dim3A_77 = vector.shape_cast %get3A_76 : vector<128xf32> to vector<1x128xf32>
    %add3A_78 = vector.broadcast %broadcast_in_dim3A_77 : vector<1x128xf32> to vector<1600x128xf32>
    %add3A_79 = arith.addf %slice3A_72, %add3A_78 : vector<1600x128xf32>
    %mul3A_80 = arith.constant 0.176776692 : f32
    %mul3A_81 = vector.broadcast %mul3A_80 : f32 to vector<1600x128xf32>
    %mul3A_82 = arith.mulf %add3A_56, %mul3A_81 : vector<1600x128xf32>
    %slice3A_83 = vector.extract_strided_slice %mul3A_82 {offsets = [0, 0], sizes = [1600, 32], strides = [1, 1]} : vector<1600x128xf32> to vector<1600x32xf32>
    %reshape3A_84 = vector.shape_cast %slice3A_83 : vector<1600x32xf32> to vector<8x200x32xf32>
    %slice3A_85 = vector.extract_strided_slice %add3A_71 {offsets = [0, 0], sizes = [1600, 32], strides = [1, 1]} : vector<1600x128xf32> to vector<1600x32xf32>
    %reshape3A_86 = vector.shape_cast %slice3A_85 : vector<1600x32xf32> to vector<8x200x32xf32>
    %slice3A_87 = vector.extract_strided_slice %add3A_79 {offsets = [0, 0], sizes = [1600, 32], strides = [1, 1]} : vector<1600x128xf32> to vector<1600x32xf32>
    %reshape3A_88 = vector.shape_cast %slice3A_87 : vector<1600x32xf32> to vector<8x200x32xf32>
    %convert_element_type3A_89 = arith.truncf %reshape3A_84 : vector<8x200x32xf32> to vector<8x200x32xbf16>
    %convert_element_type3A_90 = arith.truncf %reshape3A_86 : vector<8x200x32xf32> to vector<8x200x32xbf16>
    %dot_general3A_91 = arith.constant dense<0.000000e+00> : vector<8x200x200xf32>
    %dot_general3A_92 = tpu.matmul %convert_element_type3A_89, %convert_element_type3A_90, %dot_general3A_91 {dimension_numbers = #tpu.dot_dimension_numbers<[2], [2], [1], [1], [0, 0, 0, 1, 1, 1], [0], [0]>, transpose_lhs_hint = false} : vector<8x200x32xbf16>, vector<8x200x32xbf16>, vector<8x200x200xf32> -> vector<8x200x200xf32>
    %add3A_93 = vector.broadcast %broadcast_in_dim3A_13 : vector<1x200x200xf32> to vector<8x200x200xf32>
    %add3A_94 = arith.addf %dot_general3A_92, %add3A_93 : vector<8x200x200xf32>
    %exp3A = math.exp %add3A_94 : vector<8x200x200xf32>
    %reduce_sum3A_95 = arith.constant dense<0.000000e+00> : vector<8x200xf32>
    %reduce_sum3A_96 = vector.multi_reduction <add>, %exp3A, %reduce_sum3A_95 [2] : vector<8x200x200xf32> to vector<8x200xf32>
    %broadcast_in_dim3A_97 = vector.shape_cast %reduce_sum3A_96 : vector<8x200xf32> to vector<8x200x1xf32>
    %convert_element_type3A_98 = arith.truncf %exp3A : vector<8x200x200xf32> to vector<8x200x200xbf16>
    %convert_element_type3A_99 = arith.truncf %reshape3A_88 : vector<8x200x32xf32> to vector<8x200x32xbf16>
    %dot_general3A_100 = arith.constant dense<0.000000e+00> : vector<8x200x32xf32>
    %dot_general3A_101 = tpu.matmul %convert_element_type3A_98, %convert_element_type3A_99, %dot_general3A_100 {dimension_numbers = #tpu.dot_dimension_numbers<[2], [1], [1], [2], [0, 0, 0, 1, 1, 2], [0], [0]>, transpose_lhs_hint = false} : vector<8x200x200xbf16>, vector<8x200x32xbf16>, vector<8x200x32xf32> -> vector<8x200x32xf32>
    %div3A_102 = vector.broadcast %broadcast_in_dim3A_97 : vector<8x200x1xf32> to vector<8x200x32xf32>
    %div3A_103 = arith.divf %dot_general3A_101, %div3A_102 : vector<8x200x32xf32>
    %reshape3A_104 = vector.shape_cast %div3A_103 : vector<8x200x32xf32> to vector<1600x32xf32>
    %slice3A_105 = vector.extract_strided_slice %mul3A_82 {offsets = [0, 32], sizes = [1600, 32], strides = [1, 1]} : vector<1600x128xf32> to vector<1600x32xf32>
    %reshape3A_106 = vector.shape_cast %slice3A_105 : vector<1600x32xf32> to vector<8x200x32xf32>
    %slice3A_107 = vector.extract_strided_slice %add3A_71 {offsets = [0, 32], sizes = [1600, 32], strides = [1, 1]} : vector<1600x128xf32> to vector<1600x32xf32>
    %reshape3A_108 = vector.shape_cast %slice3A_107 : vector<1600x32xf32> to vector<8x200x32xf32>
    %slice3A_109 = vector.extract_strided_slice %add3A_79 {offsets = [0, 32], sizes = [1600, 32], strides = [1, 1]} : vector<1600x128xf32> to vector<1600x32xf32>
    %reshape3A_110 = vector.shape_cast %slice3A_109 : vector<1600x32xf32> to vector<8x200x32xf32>
    %convert_element_type3A_111 = arith.truncf %reshape3A_106 : vector<8x200x32xf32> to vector<8x200x32xbf16>
    %convert_element_type3A_112 = arith.truncf %reshape3A_108 : vector<8x200x32xf32> to vector<8x200x32xbf16>
    %dot_general3A_113 = arith.constant dense<0.000000e+00> : vector<8x200x200xf32>
    %dot_general3A_114 = tpu.matmul %convert_element_type3A_111, %convert_element_type3A_112, %dot_general3A_113 {dimension_numbers = #tpu.dot_dimension_numbers<[2], [2], [1], [1], [0, 0, 0, 1, 1, 1], [0], [0]>, transpose_lhs_hint = false} : vector<8x200x32xbf16>, vector<8x200x32xbf16>, vector<8x200x200xf32> -> vector<8x200x200xf32>
    %add3A_115 = vector.broadcast %broadcast_in_dim3A_13 : vector<1x200x200xf32> to vector<8x200x200xf32>
    %add3A_116 = arith.addf %dot_general3A_114, %add3A_115 : vector<8x200x200xf32>
    %exp3A_117 = math.exp %add3A_116 : vector<8x200x200xf32>
    %reduce_sum3A_118 = arith.constant dense<0.000000e+00> : vector<8x200xf32>
    %reduce_sum3A_119 = vector.multi_reduction <add>, %exp3A_117, %reduce_sum3A_118 [2] : vector<8x200x200xf32> to vector<8x200xf32>
    %broadcast_in_dim3A_120 = vector.shape_cast %reduce_sum3A_119 : vector<8x200xf32> to vector<8x200x1xf32>
    %convert_element_type3A_121 = arith.truncf %exp3A_117 : vector<8x200x200xf32> to vector<8x200x200xbf16>
    %convert_element_type3A_122 = arith.truncf %reshape3A_110 : vector<8x200x32xf32> to vector<8x200x32xbf16>
    %dot_general3A_123 = arith.constant dense<0.000000e+00> : vector<8x200x32xf32>
    %dot_general3A_124 = tpu.matmul %convert_element_type3A_121, %convert_element_type3A_122, %dot_general3A_123 {dimension_numbers = #tpu.dot_dimension_numbers<[2], [1], [1], [2], [0, 0, 0, 1, 1, 2], [0], [0]>, transpose_lhs_hint = false} : vector<8x200x200xbf16>, vector<8x200x32xbf16>, vector<8x200x32xf32> -> vector<8x200x32xf32>
    %div3A_125 = vector.broadcast %broadcast_in_dim3A_120 : vector<8x200x1xf32> to vector<8x200x32xf32>
    %div3A_126 = arith.divf %dot_general3A_124, %div3A_125 : vector<8x200x32xf32>
    %reshape3A_127 = vector.shape_cast %div3A_126 : vector<8x200x32xf32> to vector<1600x32xf32>
    %slice3A_128 = vector.extract_strided_slice %mul3A_82 {offsets = [0, 64], sizes = [1600, 32], strides = [1, 1]} : vector<1600x128xf32> to vector<1600x32xf32>
    %reshape3A_129 = vector.shape_cast %slice3A_128 : vector<1600x32xf32> to vector<8x200x32xf32>
    %slice3A_130 = vector.extract_strided_slice %add3A_71 {offsets = [0, 64], sizes = [1600, 32], strides = [1, 1]} : vector<1600x128xf32> to vector<1600x32xf32>
    %reshape3A_131 = vector.shape_cast %slice3A_130 : vector<1600x32xf32> to vector<8x200x32xf32>
    %slice3A_132 = vector.extract_strided_slice %add3A_79 {offsets = [0, 64], sizes = [1600, 32], strides = [1, 1]} : vector<1600x128xf32> to vector<1600x32xf32>
    %reshape3A_133 = vector.shape_cast %slice3A_132 : vector<1600x32xf32> to vector<8x200x32xf32>
    %convert_element_type3A_134 = arith.truncf %reshape3A_129 : vector<8x200x32xf32> to vector<8x200x32xbf16>
    %convert_element_type3A_135 = arith.truncf %reshape3A_131 : vector<8x200x32xf32> to vector<8x200x32xbf16>
    %dot_general3A_136 = arith.constant dense<0.000000e+00> : vector<8x200x200xf32>
    %dot_general3A_137 = tpu.matmul %convert_element_type3A_134, %convert_element_type3A_135, %dot_general3A_136 {dimension_numbers = #tpu.dot_dimension_numbers<[2], [2], [1], [1], [0, 0, 0, 1, 1, 1], [0], [0]>, transpose_lhs_hint = false} : vector<8x200x32xbf16>, vector<8x200x32xbf16>, vector<8x200x200xf32> -> vector<8x200x200xf32>
    %add3A_138 = vector.broadcast %broadcast_in_dim3A_13 : vector<1x200x200xf32> to vector<8x200x200xf32>
    %add3A_139 = arith.addf %dot_general3A_137, %add3A_138 : vector<8x200x200xf32>
    %exp3A_140 = math.exp %add3A_139 : vector<8x200x200xf32>
    %reduce_sum3A_141 = arith.constant dense<0.000000e+00> : vector<8x200xf32>
    %reduce_sum3A_142 = vector.multi_reduction <add>, %exp3A_140, %reduce_sum3A_141 [2] : vector<8x200x200xf32> to vector<8x200xf32>
    %broadcast_in_dim3A_143 = vector.shape_cast %reduce_sum3A_142 : vector<8x200xf32> to vector<8x200x1xf32>
    %convert_element_type3A_144 = arith.truncf %exp3A_140 : vector<8x200x200xf32> to vector<8x200x200xbf16>
    %convert_element_type3A_145 = arith.truncf %reshape3A_133 : vector<8x200x32xf32> to vector<8x200x32xbf16>
    %dot_general3A_146 = arith.constant dense<0.000000e+00> : vector<8x200x32xf32>
    %dot_general3A_147 = tpu.matmul %convert_element_type3A_144, %convert_element_type3A_145, %dot_general3A_146 {dimension_numbers = #tpu.dot_dimension_numbers<[2], [1], [1], [2], [0, 0, 0, 1, 1, 2], [0], [0]>, transpose_lhs_hint = false} : vector<8x200x200xbf16>, vector<8x200x32xbf16>, vector<8x200x32xf32> -> vector<8x200x32xf32>
    %div3A_148 = vector.broadcast %broadcast_in_dim3A_143 : vector<8x200x1xf32> to vector<8x200x32xf32>
    %div3A_149 = arith.divf %dot_general3A_147, %div3A_148 : vector<8x200x32xf32>
    %reshape3A_150 = vector.shape_cast %div3A_149 : vector<8x200x32xf32> to vector<1600x32xf32>
    %slice3A_151 = vector.extract_strided_slice %mul3A_82 {offsets = [0, 96], sizes = [1600, 32], strides = [1, 1]} : vector<1600x128xf32> to vector<1600x32xf32>
    %reshape3A_152 = vector.shape_cast %slice3A_151 : vector<1600x32xf32> to vector<8x200x32xf32>
    %slice3A_153 = vector.extract_strided_slice %add3A_71 {offsets = [0, 96], sizes = [1600, 32], strides = [1, 1]} : vector<1600x128xf32> to vector<1600x32xf32>
    %reshape3A_154 = vector.shape_cast %slice3A_153 : vector<1600x32xf32> to vector<8x200x32xf32>
    %slice3A_155 = vector.extract_strided_slice %add3A_79 {offsets = [0, 96], sizes = [1600, 32], strides = [1, 1]} : vector<1600x128xf32> to vector<1600x32xf32>
    %reshape3A_156 = vector.shape_cast %slice3A_155 : vector<1600x32xf32> to vector<8x200x32xf32>
    %convert_element_type3A_157 = arith.truncf %reshape3A_152 : vector<8x200x32xf32> to vector<8x200x32xbf16>
    %convert_element_type3A_158 = arith.truncf %reshape3A_154 : vector<8x200x32xf32> to vector<8x200x32xbf16>
    %dot_general3A_159 = arith.constant dense<0.000000e+00> : vector<8x200x200xf32>
    %dot_general3A_160 = tpu.matmul %convert_element_type3A_157, %convert_element_type3A_158, %dot_general3A_159 {dimension_numbers = #tpu.dot_dimension_numbers<[2], [2], [1], [1], [0, 0, 0, 1, 1, 1], [0], [0]>, transpose_lhs_hint = false} : vector<8x200x32xbf16>, vector<8x200x32xbf16>, vector<8x200x200xf32> -> vector<8x200x200xf32>
    %add3A_161 = vector.broadcast %broadcast_in_dim3A_13 : vector<1x200x200xf32> to vector<8x200x200xf32>
    %add3A_162 = arith.addf %dot_general3A_160, %add3A_161 : vector<8x200x200xf32>
    %exp3A_163 = math.exp %add3A_162 : vector<8x200x200xf32>
    %reduce_sum3A_164 = arith.constant dense<0.000000e+00> : vector<8x200xf32>
    %reduce_sum3A_165 = vector.multi_reduction <add>, %exp3A_163, %reduce_sum3A_164 [2] : vector<8x200x200xf32> to vector<8x200xf32>
    %broadcast_in_dim3A_166 = vector.shape_cast %reduce_sum3A_165 : vector<8x200xf32> to vector<8x200x1xf32>
    %convert_element_type3A_167 = arith.truncf %exp3A_163 : vector<8x200x200xf32> to vector<8x200x200xbf16>
    %convert_element_type3A_168 = arith.truncf %reshape3A_156 : vector<8x200x32xf32> to vector<8x200x32xbf16>
    %dot_general3A_169 = arith.constant dense<0.000000e+00> : vector<8x200x32xf32>
    %dot_general3A_170 = tpu.matmul %convert_element_type3A_167, %convert_element_type3A_168, %dot_general3A_169 {dimension_numbers = #tpu.dot_dimension_numbers<[2], [1], [1], [2], [0, 0, 0, 1, 1, 2], [0], [0]>, transpose_lhs_hint = false} : vector<8x200x200xbf16>, vector<8x200x32xbf16>, vector<8x200x32xf32> -> vector<8x200x32xf32>
    %div3A_171 = vector.broadcast %broadcast_in_dim3A_166 : vector<8x200x1xf32> to vector<8x200x32xf32>
    %div3A_172 = arith.divf %dot_general3A_170, %div3A_171 : vector<8x200x32xf32>
    %reshape3A_173 = vector.shape_cast %div3A_172 : vector<8x200x32xf32> to vector<1600x32xf32>
    %concatenate3A = tpu.concatenate %reshape3A_104, %reshape3A_127, %reshape3A_150, %reshape3A_173 in 1 : vector<1600x32xf32>, vector<1600x32xf32>, vector<1600x32xf32>, vector<1600x32xf32> -> vector<1600x128xf32>
    %get3A_174 = arith.constant 0 : index
    %get3A_175 = arith.constant 0 : index
    %get3A_176 = arith.constant 0 : index
    %get3A_177 = vector.load %arg5[%get3A_174, %get3A_175, %get3A_176] : memref<2x128x128xbf16, #tpu.memory_space<vmem>>, vector<1x128x128xbf16>
    %get3A_178 = vector.shape_cast %get3A_177 : vector<1x128x128xbf16> to vector<128x128xbf16>
    %convert_element_type3A_179 = arith.truncf %concatenate3A : vector<1600x128xf32> to vector<1600x128xbf16>
    %dot_general3A_180 = arith.constant dense<0.000000e+00> : vector<1600x128xf32>
    %dot_general3A_181 = tpu.matmul %convert_element_type3A_179, %get3A_178, %dot_general3A_180 {dimension_numbers = #tpu.dot_dimension_numbers<[1], [0], [0], [1], [0, 0, 1, 1], [], []>, transpose_lhs_hint = false} : vector<1600x128xbf16>, vector<128x128xbf16>, vector<1600x128xf32> -> vector<1600x128xf32>
    %get3A_182 = arith.constant 3 : index
    %get3A_183 = arith.constant 0 : index
    %get3A_184 = vector.load %arg8[%get3A_182, %get3A_183] : memref<22x128xf32, #tpu.memory_space<vmem>>, vector<1x128xf32>
    %get3A_185 = vector.shape_cast %get3A_184 : vector<1x128xf32> to vector<128xf32>
    %broadcast_in_dim3A_186 = vector.shape_cast %get3A_185 : vector<128xf32> to vector<1x128xf32>
    %add3A_187 = vector.broadcast %broadcast_in_dim3A_186 : vector<1x128xf32> to vector<1600x128xf32>
    %add3A_188 = arith.addf %dot_general3A_181, %add3A_187 : vector<1600x128xf32>
    %add3A_189 = arith.addf %add3A_43, %add3A_188 : vector<1600x128xf32>
    %get3A_190 = arith.constant 6 : index
    %get3A_191 = arith.constant 0 : index
    %get3A_192 = vector.load %arg8[%get3A_190, %get3A_191] : memref<22x128xf32, #tpu.memory_space<vmem>>, vector<1x128xf32>
    %get3A_193 = vector.shape_cast %get3A_192 : vector<1x128xf32> to vector<128xf32>
    %get3A_194 = arith.constant 7 : index
    %get3A_195 = arith.constant 0 : index
    %get3A_196 = vector.load %arg8[%get3A_194, %get3A_195] : memref<22x128xf32, #tpu.memory_space<vmem>>, vector<1x128xf32>
    %get3A_197 = vector.shape_cast %get3A_196 : vector<1x128xf32> to vector<128xf32>
    %reduce_sum3A_198 = arith.constant dense<0.000000e+00> : vector<1600xf32>
    %reduce_sum3A_199 = vector.multi_reduction <add>, %add3A_189, %reduce_sum3A_198 [1] : vector<1600x128xf32> to vector<1600xf32>
    %broadcast_in_dim3A_200 = vector.shape_cast %reduce_sum3A_199 : vector<1600xf32> to vector<1600x1xf32>
    %div3A_201 = arith.constant 1.280000e+02 : f32
    %div3A_202 = vector.broadcast %div3A_201 : f32 to vector<1600x1xf32>
    %div3A_203 = arith.divf %broadcast_in_dim3A_200, %div3A_202 : vector<1600x1xf32>
    %sub3A_204 = vector.broadcast %div3A_203 : vector<1600x1xf32> to vector<1600x128xf32>
    %sub3A_205 = arith.subf %add3A_189, %sub3A_204 : vector<1600x128xf32>
    %mul3A_206 = arith.mulf %sub3A_205, %sub3A_205 : vector<1600x128xf32>
    %reduce_sum3A_207 = arith.constant dense<0.000000e+00> : vector<1600xf32>
    %reduce_sum3A_208 = vector.multi_reduction <add>, %mul3A_206, %reduce_sum3A_207 [1] : vector<1600x128xf32> to vector<1600xf32>
    %broadcast_in_dim3A_209 = vector.shape_cast %reduce_sum3A_208 : vector<1600xf32> to vector<1600x1xf32>
    %div3A_210 = arith.constant 1.280000e+02 : f32
    %div3A_211 = vector.broadcast %div3A_210 : f32 to vector<1600x1xf32>
    %div3A_212 = arith.divf %broadcast_in_dim3A_209, %div3A_211 : vector<1600x1xf32>
    %add3A_213 = arith.constant 9.99999974E-6 : f32
    %add3A_214 = vector.broadcast %add3A_213 : f32 to vector<1600x1xf32>
    %add3A_215 = arith.addf %div3A_212, %add3A_214 : vector<1600x1xf32>
    %rsqrt3A_216 = math.rsqrt %add3A_215 : vector<1600x1xf32>
    %mul3A_217 = vector.broadcast %rsqrt3A_216 : vector<1600x1xf32> to vector<1600x128xf32>
    %mul3A_218 = arith.mulf %sub3A_205, %mul3A_217 : vector<1600x128xf32>
    %broadcast_in_dim3A_219 = vector.shape_cast %get3A_193 : vector<128xf32> to vector<1x128xf32>
    %mul3A_220 = vector.broadcast %broadcast_in_dim3A_219 : vector<1x128xf32> to vector<1600x128xf32>
    %mul3A_221 = arith.mulf %mul3A_218, %mul3A_220 : vector<1600x128xf32>
    %broadcast_in_dim3A_222 = vector.shape_cast %get3A_197 : vector<128xf32> to vector<1x128xf32>
    %add3A_223 = vector.broadcast %broadcast_in_dim3A_222 : vector<1x128xf32> to vector<1600x128xf32>
    %add3A_224 = arith.addf %mul3A_221, %add3A_223 : vector<1600x128xf32>
    %get3A_225 = arith.constant 0 : index
    %get3A_226 = arith.constant 0 : index
    %get3A_227 = arith.constant 0 : index
    %get3A_228 = vector.load %arg6[%get3A_225, %get3A_226, %get3A_227] : memref<2x128x128xbf16, #tpu.memory_space<vmem>>, vector<1x128x128xbf16>
    %get3A_229 = vector.shape_cast %get3A_228 : vector<1x128x128xbf16> to vector<128x128xbf16>
    %convert_element_type3A_230 = arith.truncf %add3A_224 : vector<1600x128xf32> to vector<1600x128xbf16>
    %dot_general3A_231 = arith.constant dense<0.000000e+00> : vector<1600x128xf32>
    %dot_general3A_232 = tpu.matmul %convert_element_type3A_230, %get3A_229, %dot_general3A_231 {dimension_numbers = #tpu.dot_dimension_numbers<[1], [0], [0], [1], [0, 0, 1, 1], [], []>, transpose_lhs_hint = false} : vector<1600x128xbf16>, vector<128x128xbf16>, vector<1600x128xf32> -> vector<1600x128xf32>
    %get3A_233 = arith.constant 8 : index
    %get3A_234 = arith.constant 0 : index
    %get3A_235 = vector.load %arg8[%get3A_233, %get3A_234] : memref<22x128xf32, #tpu.memory_space<vmem>>, vector<1x128xf32>
    %get3A_236 = vector.shape_cast %get3A_235 : vector<1x128xf32> to vector<128xf32>
    %broadcast_in_dim3A_237 = vector.shape_cast %get3A_236 : vector<128xf32> to vector<1x128xf32>
    %add3A_238 = vector.broadcast %broadcast_in_dim3A_237 : vector<1x128xf32> to vector<1600x128xf32>
    %add3A_239 = arith.addf %dot_general3A_232, %add3A_238 : vector<1600x128xf32>
    %max3A = arith.constant 0.000000e+00 : f32
    %max3A_240 = vector.broadcast %max3A : f32 to vector<1600x128xf32>
    %max3A_241 = arith.maximumf %add3A_239, %max3A_240 : vector<1600x128xf32>
    %get3A_242 = arith.constant 0 : index
    %get3A_243 = arith.constant 0 : index
    %get3A_244 = arith.constant 0 : index
    %get3A_245 = vector.load %arg7[%get3A_242, %get3A_243, %get3A_244] : memref<2x128x128xbf16, #tpu.memory_space<vmem>>, vector<1x128x128xbf16>
    %get3A_246 = vector.shape_cast %get3A_245 : vector<1x128x128xbf16> to vector<128x128xbf16>
    %convert_element_type3A_247 = arith.truncf %max3A_241 : vector<1600x128xf32> to vector<1600x128xbf16>
    %dot_general3A_248 = arith.constant dense<0.000000e+00> : vector<1600x128xf32>
    %dot_general3A_249 = tpu.matmul %convert_element_type3A_247, %get3A_246, %dot_general3A_248 {dimension_numbers = #tpu.dot_dimension_numbers<[1], [0], [0], [1], [0, 0, 1, 1], [], []>, transpose_lhs_hint = false} : vector<1600x128xbf16>, vector<128x128xbf16>, vector<1600x128xf32> -> vector<1600x128xf32>
    %get3A_250 = arith.constant 9 : index
    %get3A_251 = arith.constant 0 : index
    %get3A_252 = vector.load %arg8[%get3A_250, %get3A_251] : memref<22x128xf32, #tpu.memory_space<vmem>>, vector<1x128xf32>
    %get3A_253 = vector.shape_cast %get3A_252 : vector<1x128xf32> to vector<128xf32>
    %broadcast_in_dim3A_254 = vector.shape_cast %get3A_253 : vector<128xf32> to vector<1x128xf32>
    %add3A_255 = vector.broadcast %broadcast_in_dim3A_254 : vector<1x128xf32> to vector<1600x128xf32>
    %add3A_256 = arith.addf %dot_general3A_249, %add3A_255 : vector<1600x128xf32>
    %add3A_257 = arith.addf %add3A_256, %add3A_224 : vector<1600x128xf32>
    %get3A_258 = arith.constant 14 : index
    %get3A_259 = arith.constant 0 : index
    %get3A_260 = vector.load %arg8[%get3A_258, %get3A_259] : memref<22x128xf32, #tpu.memory_space<vmem>>, vector<1x128xf32>
    %get3A_261 = vector.shape_cast %get3A_260 : vector<1x128xf32> to vector<128xf32>
    %get3A_262 = arith.constant 15 : index
    %get3A_263 = arith.constant 0 : index
    %get3A_264 = vector.load %arg8[%get3A_262, %get3A_263] : memref<22x128xf32, #tpu.memory_space<vmem>>, vector<1x128xf32>
    %get3A_265 = vector.shape_cast %get3A_264 : vector<1x128xf32> to vector<128xf32>
    %reduce_sum3A_266 = arith.constant dense<0.000000e+00> : vector<1600xf32>
    %reduce_sum3A_267 = vector.multi_reduction <add>, %add3A_257, %reduce_sum3A_266 [1] : vector<1600x128xf32> to vector<1600xf32>
    %broadcast_in_dim3A_268 = vector.shape_cast %reduce_sum3A_267 : vector<1600xf32> to vector<1600x1xf32>
    %div3A_269 = arith.constant 1.280000e+02 : f32
    %div3A_270 = vector.broadcast %div3A_269 : f32 to vector<1600x1xf32>
    %div3A_271 = arith.divf %broadcast_in_dim3A_268, %div3A_270 : vector<1600x1xf32>
    %sub3A_272 = vector.broadcast %div3A_271 : vector<1600x1xf32> to vector<1600x128xf32>
    %sub3A_273 = arith.subf %add3A_257, %sub3A_272 : vector<1600x128xf32>
    %mul3A_274 = arith.mulf %sub3A_273, %sub3A_273 : vector<1600x128xf32>
    %reduce_sum3A_275 = arith.constant dense<0.000000e+00> : vector<1600xf32>
    %reduce_sum3A_276 = vector.multi_reduction <add>, %mul3A_274, %reduce_sum3A_275 [1] : vector<1600x128xf32> to vector<1600xf32>
    %broadcast_in_dim3A_277 = vector.shape_cast %reduce_sum3A_276 : vector<1600xf32> to vector<1600x1xf32>
    %div3A_278 = arith.constant 1.280000e+02 : f32
    %div3A_279 = vector.broadcast %div3A_278 : f32 to vector<1600x1xf32>
    %div3A_280 = arith.divf %broadcast_in_dim3A_277, %div3A_279 : vector<1600x1xf32>
    %add3A_281 = arith.constant 9.99999974E-6 : f32
    %add3A_282 = vector.broadcast %add3A_281 : f32 to vector<1600x1xf32>
    %add3A_283 = arith.addf %div3A_280, %add3A_282 : vector<1600x1xf32>
    %rsqrt3A_284 = math.rsqrt %add3A_283 : vector<1600x1xf32>
    %mul3A_285 = vector.broadcast %rsqrt3A_284 : vector<1600x1xf32> to vector<1600x128xf32>
    %mul3A_286 = arith.mulf %sub3A_273, %mul3A_285 : vector<1600x128xf32>
    %broadcast_in_dim3A_287 = vector.shape_cast %get3A_261 : vector<128xf32> to vector<1x128xf32>
    %mul3A_288 = vector.broadcast %broadcast_in_dim3A_287 : vector<1x128xf32> to vector<1600x128xf32>
    %mul3A_289 = arith.mulf %mul3A_286, %mul3A_288 : vector<1600x128xf32>
    %broadcast_in_dim3A_290 = vector.shape_cast %get3A_265 : vector<128xf32> to vector<1x128xf32>
    %add3A_291 = vector.broadcast %broadcast_in_dim3A_290 : vector<1x128xf32> to vector<1600x128xf32>
    %add3A_292 = arith.addf %mul3A_289, %add3A_291 : vector<1600x128xf32>
    %get3A_293 = arith.constant 1 : index
    %get3A_294 = arith.constant 0 : index
    %get3A_295 = arith.constant 0 : index
    %get3A_296 = vector.load %arg3[%get3A_293, %get3A_294, %get3A_295] : memref<2x128x128xbf16, #tpu.memory_space<vmem>>, vector<1x128x128xbf16>
    %get3A_297 = vector.shape_cast %get3A_296 : vector<1x128x128xbf16> to vector<128x128xbf16>
    %convert_element_type3A_298 = arith.truncf %add3A_292 : vector<1600x128xf32> to vector<1600x128xbf16>
    %dot_general3A_299 = arith.constant dense<0.000000e+00> : vector<1600x128xf32>
    %dot_general3A_300 = tpu.matmul %convert_element_type3A_298, %get3A_297, %dot_general3A_299 {dimension_numbers = #tpu.dot_dimension_numbers<[1], [0], [0], [1], [0, 0, 1, 1], [], []>, transpose_lhs_hint = false} : vector<1600x128xbf16>, vector<128x128xbf16>, vector<1600x128xf32> -> vector<1600x128xf32>
    %get3A_301 = arith.constant 10 : index
    %get3A_302 = arith.constant 0 : index
    %get3A_303 = vector.load %arg8[%get3A_301, %get3A_302] : memref<22x128xf32, #tpu.memory_space<vmem>>, vector<1x128xf32>
    %get3A_304 = vector.shape_cast %get3A_303 : vector<1x128xf32> to vector<128xf32>
    %broadcast_in_dim3A_305 = vector.shape_cast %get3A_304 : vector<128xf32> to vector<1x128xf32>
    %add3A_306 = vector.broadcast %broadcast_in_dim3A_305 : vector<1x128xf32> to vector<1600x128xf32>
    %add3A_307 = arith.addf %dot_general3A_300, %add3A_306 : vector<1600x128xf32>
    %get3A_308 = arith.constant 1 : index
    %get3A_309 = arith.constant 0 : index
    %get3A_310 = arith.constant 0 : index
    %get3A_311 = vector.load %arg4[%get3A_308, %get3A_309, %get3A_310] : memref<2x128x256xbf16, #tpu.memory_space<vmem>>, vector<1x128x256xbf16>
    %get3A_312 = vector.shape_cast %get3A_311 : vector<1x128x256xbf16> to vector<128x256xbf16>
    %convert_element_type3A_313 = arith.truncf %add3A_257 : vector<1600x128xf32> to vector<1600x128xbf16>
    %dot_general3A_314 = arith.constant dense<0.000000e+00> : vector<1600x256xf32>
    %dot_general3A_315 = tpu.matmul %convert_element_type3A_313, %get3A_312, %dot_general3A_314 {dimension_numbers = #tpu.dot_dimension_numbers<[1], [0], [0], [1], [0, 0, 1, 1], [], []>, transpose_lhs_hint = false} : vector<1600x128xbf16>, vector<128x256xbf16>, vector<1600x256xf32> -> vector<1600x256xf32>
    %slice3A_316 = vector.extract_strided_slice %dot_general3A_315 {offsets = [0, 0], sizes = [1600, 128], strides = [1, 1]} : vector<1600x256xf32> to vector<1600x128xf32>
    %get3A_317 = arith.constant 11 : index
    %get3A_318 = arith.constant 0 : index
    %get3A_319 = vector.load %arg8[%get3A_317, %get3A_318] : memref<22x128xf32, #tpu.memory_space<vmem>>, vector<1x128xf32>
    %get3A_320 = vector.shape_cast %get3A_319 : vector<1x128xf32> to vector<128xf32>
    %broadcast_in_dim3A_321 = vector.shape_cast %get3A_320 : vector<128xf32> to vector<1x128xf32>
    %add3A_322 = vector.broadcast %broadcast_in_dim3A_321 : vector<1x128xf32> to vector<1600x128xf32>
    %add3A_323 = arith.addf %slice3A_316, %add3A_322 : vector<1600x128xf32>
    %slice3A_324 = vector.extract_strided_slice %dot_general3A_315 {offsets = [0, 128], sizes = [1600, 128], strides = [1, 1]} : vector<1600x256xf32> to vector<1600x128xf32>
    %get3A_325 = arith.constant 12 : index
    %get3A_326 = arith.constant 0 : index
    %get3A_327 = vector.load %arg8[%get3A_325, %get3A_326] : memref<22x128xf32, #tpu.memory_space<vmem>>, vector<1x128xf32>
    %get3A_328 = vector.shape_cast %get3A_327 : vector<1x128xf32> to vector<128xf32>
    %broadcast_in_dim3A_329 = vector.shape_cast %get3A_328 : vector<128xf32> to vector<1x128xf32>
    %add3A_330 = vector.broadcast %broadcast_in_dim3A_329 : vector<1x128xf32> to vector<1600x128xf32>
    %add3A_331 = arith.addf %slice3A_324, %add3A_330 : vector<1600x128xf32>
    %mul3A_332 = arith.constant 0.176776692 : f32
    %mul3A_333 = vector.broadcast %mul3A_332 : f32 to vector<1600x128xf32>
    %mul3A_334 = arith.mulf %add3A_307, %mul3A_333 : vector<1600x128xf32>
    %slice3A_335 = vector.extract_strided_slice %mul3A_334 {offsets = [0, 0], sizes = [1600, 32], strides = [1, 1]} : vector<1600x128xf32> to vector<1600x32xf32>
    %reshape3A_336 = vector.shape_cast %slice3A_335 : vector<1600x32xf32> to vector<8x200x32xf32>
    %slice3A_337 = vector.extract_strided_slice %add3A_323 {offsets = [0, 0], sizes = [1600, 32], strides = [1, 1]} : vector<1600x128xf32> to vector<1600x32xf32>
    %reshape3A_338 = vector.shape_cast %slice3A_337 : vector<1600x32xf32> to vector<8x200x32xf32>
    %slice3A_339 = vector.extract_strided_slice %add3A_331 {offsets = [0, 0], sizes = [1600, 32], strides = [1, 1]} : vector<1600x128xf32> to vector<1600x32xf32>
    %reshape3A_340 = vector.shape_cast %slice3A_339 : vector<1600x32xf32> to vector<8x200x32xf32>
    %convert_element_type3A_341 = arith.truncf %reshape3A_336 : vector<8x200x32xf32> to vector<8x200x32xbf16>
    %convert_element_type3A_342 = arith.truncf %reshape3A_338 : vector<8x200x32xf32> to vector<8x200x32xbf16>
    %dot_general3A_343 = arith.constant dense<0.000000e+00> : vector<8x200x200xf32>
    %dot_general3A_344 = tpu.matmul %convert_element_type3A_341, %convert_element_type3A_342, %dot_general3A_343 {dimension_numbers = #tpu.dot_dimension_numbers<[2], [2], [1], [1], [0, 0, 0, 1, 1, 1], [0], [0]>, transpose_lhs_hint = false} : vector<8x200x32xbf16>, vector<8x200x32xbf16>, vector<8x200x200xf32> -> vector<8x200x200xf32>
    %add3A_345 = vector.broadcast %broadcast_in_dim3A_13 : vector<1x200x200xf32> to vector<8x200x200xf32>
    %add3A_346 = arith.addf %dot_general3A_344, %add3A_345 : vector<8x200x200xf32>
    %exp3A_347 = math.exp %add3A_346 : vector<8x200x200xf32>
    %reduce_sum3A_348 = arith.constant dense<0.000000e+00> : vector<8x200xf32>
    %reduce_sum3A_349 = vector.multi_reduction <add>, %exp3A_347, %reduce_sum3A_348 [2] : vector<8x200x200xf32> to vector<8x200xf32>
    %broadcast_in_dim3A_350 = vector.shape_cast %reduce_sum3A_349 : vector<8x200xf32> to vector<8x200x1xf32>
    %convert_element_type3A_351 = arith.truncf %exp3A_347 : vector<8x200x200xf32> to vector<8x200x200xbf16>
    %convert_element_type3A_352 = arith.truncf %reshape3A_340 : vector<8x200x32xf32> to vector<8x200x32xbf16>
    %dot_general3A_353 = arith.constant dense<0.000000e+00> : vector<8x200x32xf32>
    %dot_general3A_354 = tpu.matmul %convert_element_type3A_351, %convert_element_type3A_352, %dot_general3A_353 {dimension_numbers = #tpu.dot_dimension_numbers<[2], [1], [1], [2], [0, 0, 0, 1, 1, 2], [0], [0]>, transpose_lhs_hint = false} : vector<8x200x200xbf16>, vector<8x200x32xbf16>, vector<8x200x32xf32> -> vector<8x200x32xf32>
    %div3A_355 = vector.broadcast %broadcast_in_dim3A_350 : vector<8x200x1xf32> to vector<8x200x32xf32>
    %div3A_356 = arith.divf %dot_general3A_354, %div3A_355 : vector<8x200x32xf32>
    %reshape3A_357 = vector.shape_cast %div3A_356 : vector<8x200x32xf32> to vector<1600x32xf32>
    %slice3A_358 = vector.extract_strided_slice %mul3A_334 {offsets = [0, 32], sizes = [1600, 32], strides = [1, 1]} : vector<1600x128xf32> to vector<1600x32xf32>
    %reshape3A_359 = vector.shape_cast %slice3A_358 : vector<1600x32xf32> to vector<8x200x32xf32>
    %slice3A_360 = vector.extract_strided_slice %add3A_323 {offsets = [0, 32], sizes = [1600, 32], strides = [1, 1]} : vector<1600x128xf32> to vector<1600x32xf32>
    %reshape3A_361 = vector.shape_cast %slice3A_360 : vector<1600x32xf32> to vector<8x200x32xf32>
    %slice3A_362 = vector.extract_strided_slice %add3A_331 {offsets = [0, 32], sizes = [1600, 32], strides = [1, 1]} : vector<1600x128xf32> to vector<1600x32xf32>
    %reshape3A_363 = vector.shape_cast %slice3A_362 : vector<1600x32xf32> to vector<8x200x32xf32>
    %convert_element_type3A_364 = arith.truncf %reshape3A_359 : vector<8x200x32xf32> to vector<8x200x32xbf16>
    %convert_element_type3A_365 = arith.truncf %reshape3A_361 : vector<8x200x32xf32> to vector<8x200x32xbf16>
    %dot_general3A_366 = arith.constant dense<0.000000e+00> : vector<8x200x200xf32>
    %dot_general3A_367 = tpu.matmul %convert_element_type3A_364, %convert_element_type3A_365, %dot_general3A_366 {dimension_numbers = #tpu.dot_dimension_numbers<[2], [2], [1], [1], [0, 0, 0, 1, 1, 1], [0], [0]>, transpose_lhs_hint = false} : vector<8x200x32xbf16>, vector<8x200x32xbf16>, vector<8x200x200xf32> -> vector<8x200x200xf32>
    %add3A_368 = vector.broadcast %broadcast_in_dim3A_13 : vector<1x200x200xf32> to vector<8x200x200xf32>
    %add3A_369 = arith.addf %dot_general3A_367, %add3A_368 : vector<8x200x200xf32>
    %exp3A_370 = math.exp %add3A_369 : vector<8x200x200xf32>
    %reduce_sum3A_371 = arith.constant dense<0.000000e+00> : vector<8x200xf32>
    %reduce_sum3A_372 = vector.multi_reduction <add>, %exp3A_370, %reduce_sum3A_371 [2] : vector<8x200x200xf32> to vector<8x200xf32>
    %broadcast_in_dim3A_373 = vector.shape_cast %reduce_sum3A_372 : vector<8x200xf32> to vector<8x200x1xf32>
    %convert_element_type3A_374 = arith.truncf %exp3A_370 : vector<8x200x200xf32> to vector<8x200x200xbf16>
    %convert_element_type3A_375 = arith.truncf %reshape3A_363 : vector<8x200x32xf32> to vector<8x200x32xbf16>
    %dot_general3A_376 = arith.constant dense<0.000000e+00> : vector<8x200x32xf32>
    %dot_general3A_377 = tpu.matmul %convert_element_type3A_374, %convert_element_type3A_375, %dot_general3A_376 {dimension_numbers = #tpu.dot_dimension_numbers<[2], [1], [1], [2], [0, 0, 0, 1, 1, 2], [0], [0]>, transpose_lhs_hint = false} : vector<8x200x200xbf16>, vector<8x200x32xbf16>, vector<8x200x32xf32> -> vector<8x200x32xf32>
    %div3A_378 = vector.broadcast %broadcast_in_dim3A_373 : vector<8x200x1xf32> to vector<8x200x32xf32>
    %div3A_379 = arith.divf %dot_general3A_377, %div3A_378 : vector<8x200x32xf32>
    %reshape3A_380 = vector.shape_cast %div3A_379 : vector<8x200x32xf32> to vector<1600x32xf32>
    %slice3A_381 = vector.extract_strided_slice %mul3A_334 {offsets = [0, 64], sizes = [1600, 32], strides = [1, 1]} : vector<1600x128xf32> to vector<1600x32xf32>
    %reshape3A_382 = vector.shape_cast %slice3A_381 : vector<1600x32xf32> to vector<8x200x32xf32>
    %slice3A_383 = vector.extract_strided_slice %add3A_323 {offsets = [0, 64], sizes = [1600, 32], strides = [1, 1]} : vector<1600x128xf32> to vector<1600x32xf32>
    %reshape3A_384 = vector.shape_cast %slice3A_383 : vector<1600x32xf32> to vector<8x200x32xf32>
    %slice3A_385 = vector.extract_strided_slice %add3A_331 {offsets = [0, 64], sizes = [1600, 32], strides = [1, 1]} : vector<1600x128xf32> to vector<1600x32xf32>
    %reshape3A_386 = vector.shape_cast %slice3A_385 : vector<1600x32xf32> to vector<8x200x32xf32>
    %convert_element_type3A_387 = arith.truncf %reshape3A_382 : vector<8x200x32xf32> to vector<8x200x32xbf16>
    %convert_element_type3A_388 = arith.truncf %reshape3A_384 : vector<8x200x32xf32> to vector<8x200x32xbf16>
    %dot_general3A_389 = arith.constant dense<0.000000e+00> : vector<8x200x200xf32>
    %dot_general3A_390 = tpu.matmul %convert_element_type3A_387, %convert_element_type3A_388, %dot_general3A_389 {dimension_numbers = #tpu.dot_dimension_numbers<[2], [2], [1], [1], [0, 0, 0, 1, 1, 1], [0], [0]>, transpose_lhs_hint = false} : vector<8x200x32xbf16>, vector<8x200x32xbf16>, vector<8x200x200xf32> -> vector<8x200x200xf32>
    %add3A_391 = vector.broadcast %broadcast_in_dim3A_13 : vector<1x200x200xf32> to vector<8x200x200xf32>
    %add3A_392 = arith.addf %dot_general3A_390, %add3A_391 : vector<8x200x200xf32>
    %exp3A_393 = math.exp %add3A_392 : vector<8x200x200xf32>
    %reduce_sum3A_394 = arith.constant dense<0.000000e+00> : vector<8x200xf32>
    %reduce_sum3A_395 = vector.multi_reduction <add>, %exp3A_393, %reduce_sum3A_394 [2] : vector<8x200x200xf32> to vector<8x200xf32>
    %broadcast_in_dim3A_396 = vector.shape_cast %reduce_sum3A_395 : vector<8x200xf32> to vector<8x200x1xf32>
    %convert_element_type3A_397 = arith.truncf %exp3A_393 : vector<8x200x200xf32> to vector<8x200x200xbf16>
    %convert_element_type3A_398 = arith.truncf %reshape3A_386 : vector<8x200x32xf32> to vector<8x200x32xbf16>
    %dot_general3A_399 = arith.constant dense<0.000000e+00> : vector<8x200x32xf32>
    %dot_general3A_400 = tpu.matmul %convert_element_type3A_397, %convert_element_type3A_398, %dot_general3A_399 {dimension_numbers = #tpu.dot_dimension_numbers<[2], [1], [1], [2], [0, 0, 0, 1, 1, 2], [0], [0]>, transpose_lhs_hint = false} : vector<8x200x200xbf16>, vector<8x200x32xbf16>, vector<8x200x32xf32> -> vector<8x200x32xf32>
    %div3A_401 = vector.broadcast %broadcast_in_dim3A_396 : vector<8x200x1xf32> to vector<8x200x32xf32>
    %div3A_402 = arith.divf %dot_general3A_400, %div3A_401 : vector<8x200x32xf32>
    %reshape3A_403 = vector.shape_cast %div3A_402 : vector<8x200x32xf32> to vector<1600x32xf32>
    %slice3A_404 = vector.extract_strided_slice %mul3A_334 {offsets = [0, 96], sizes = [1600, 32], strides = [1, 1]} : vector<1600x128xf32> to vector<1600x32xf32>
    %reshape3A_405 = vector.shape_cast %slice3A_404 : vector<1600x32xf32> to vector<8x200x32xf32>
    %slice3A_406 = vector.extract_strided_slice %add3A_323 {offsets = [0, 96], sizes = [1600, 32], strides = [1, 1]} : vector<1600x128xf32> to vector<1600x32xf32>
    %reshape3A_407 = vector.shape_cast %slice3A_406 : vector<1600x32xf32> to vector<8x200x32xf32>
    %slice3A_408 = vector.extract_strided_slice %add3A_331 {offsets = [0, 96], sizes = [1600, 32], strides = [1, 1]} : vector<1600x128xf32> to vector<1600x32xf32>
    %reshape3A_409 = vector.shape_cast %slice3A_408 : vector<1600x32xf32> to vector<8x200x32xf32>
    %convert_element_type3A_410 = arith.truncf %reshape3A_405 : vector<8x200x32xf32> to vector<8x200x32xbf16>
    %convert_element_type3A_411 = arith.truncf %reshape3A_407 : vector<8x200x32xf32> to vector<8x200x32xbf16>
    %dot_general3A_412 = arith.constant dense<0.000000e+00> : vector<8x200x200xf32>
    %dot_general3A_413 = tpu.matmul %convert_element_type3A_410, %convert_element_type3A_411, %dot_general3A_412 {dimension_numbers = #tpu.dot_dimension_numbers<[2], [2], [1], [1], [0, 0, 0, 1, 1, 1], [0], [0]>, transpose_lhs_hint = false} : vector<8x200x32xbf16>, vector<8x200x32xbf16>, vector<8x200x200xf32> -> vector<8x200x200xf32>
    %add3A_414 = vector.broadcast %broadcast_in_dim3A_13 : vector<1x200x200xf32> to vector<8x200x200xf32>
    %add3A_415 = arith.addf %dot_general3A_413, %add3A_414 : vector<8x200x200xf32>
    %exp3A_416 = math.exp %add3A_415 : vector<8x200x200xf32>
    %reduce_sum3A_417 = arith.constant dense<0.000000e+00> : vector<8x200xf32>
    %reduce_sum3A_418 = vector.multi_reduction <add>, %exp3A_416, %reduce_sum3A_417 [2] : vector<8x200x200xf32> to vector<8x200xf32>
    %broadcast_in_dim3A_419 = vector.shape_cast %reduce_sum3A_418 : vector<8x200xf32> to vector<8x200x1xf32>
    %convert_element_type3A_420 = arith.truncf %exp3A_416 : vector<8x200x200xf32> to vector<8x200x200xbf16>
    %convert_element_type3A_421 = arith.truncf %reshape3A_409 : vector<8x200x32xf32> to vector<8x200x32xbf16>
    %dot_general3A_422 = arith.constant dense<0.000000e+00> : vector<8x200x32xf32>
    %dot_general3A_423 = tpu.matmul %convert_element_type3A_420, %convert_element_type3A_421, %dot_general3A_422 {dimension_numbers = #tpu.dot_dimension_numbers<[2], [1], [1], [2], [0, 0, 0, 1, 1, 2], [0], [0]>, transpose_lhs_hint = false} : vector<8x200x200xbf16>, vector<8x200x32xbf16>, vector<8x200x32xf32> -> vector<8x200x32xf32>
    %div3A_424 = vector.broadcast %broadcast_in_dim3A_419 : vector<8x200x1xf32> to vector<8x200x32xf32>
    %div3A_425 = arith.divf %dot_general3A_423, %div3A_424 : vector<8x200x32xf32>
    %reshape3A_426 = vector.shape_cast %div3A_425 : vector<8x200x32xf32> to vector<1600x32xf32>
    %concatenate3A_427 = tpu.concatenate %reshape3A_357, %reshape3A_380, %reshape3A_403, %reshape3A_426 in 1 : vector<1600x32xf32>, vector<1600x32xf32>, vector<1600x32xf32>, vector<1600x32xf32> -> vector<1600x128xf32>
    %get3A_428 = arith.constant 1 : index
    %get3A_429 = arith.constant 0 : index
    %get3A_430 = arith.constant 0 : index
    %get3A_431 = vector.load %arg5[%get3A_428, %get3A_429, %get3A_430] : memref<2x128x128xbf16, #tpu.memory_space<vmem>>, vector<1x128x128xbf16>
    %get3A_432 = vector.shape_cast %get3A_431 : vector<1x128x128xbf16> to vector<128x128xbf16>
    %convert_element_type3A_433 = arith.truncf %concatenate3A_427 : vector<1600x128xf32> to vector<1600x128xbf16>
    %dot_general3A_434 = arith.constant dense<0.000000e+00> : vector<1600x128xf32>
    %dot_general3A_435 = tpu.matmul %convert_element_type3A_433, %get3A_432, %dot_general3A_434 {dimension_numbers = #tpu.dot_dimension_numbers<[1], [0], [0], [1], [0, 0, 1, 1], [], []>, transpose_lhs_hint = false} : vector<1600x128xbf16>, vector<128x128xbf16>, vector<1600x128xf32> -> vector<1600x128xf32>
    %get3A_436 = arith.constant 13 : index
    %get3A_437 = arith.constant 0 : index
    %get3A_438 = vector.load %arg8[%get3A_436, %get3A_437] : memref<22x128xf32, #tpu.memory_space<vmem>>, vector<1x128xf32>
    %get3A_439 = vector.shape_cast %get3A_438 : vector<1x128xf32> to vector<128xf32>
    %broadcast_in_dim3A_440 = vector.shape_cast %get3A_439 : vector<128xf32> to vector<1x128xf32>
    %add3A_441 = vector.broadcast %broadcast_in_dim3A_440 : vector<1x128xf32> to vector<1600x128xf32>
    %add3A_442 = arith.addf %dot_general3A_435, %add3A_441 : vector<1600x128xf32>
    %add3A_443 = arith.addf %add3A_292, %add3A_442 : vector<1600x128xf32>
    %get3A_444 = arith.constant 16 : index
    %get3A_445 = arith.constant 0 : index
    %get3A_446 = vector.load %arg8[%get3A_444, %get3A_445] : memref<22x128xf32, #tpu.memory_space<vmem>>, vector<1x128xf32>
    %get3A_447 = vector.shape_cast %get3A_446 : vector<1x128xf32> to vector<128xf32>
    %get3A_448 = arith.constant 17 : index
    %get3A_449 = arith.constant 0 : index
    %get3A_450 = vector.load %arg8[%get3A_448, %get3A_449] : memref<22x128xf32, #tpu.memory_space<vmem>>, vector<1x128xf32>
    %get3A_451 = vector.shape_cast %get3A_450 : vector<1x128xf32> to vector<128xf32>
    %reduce_sum3A_452 = arith.constant dense<0.000000e+00> : vector<1600xf32>
    %reduce_sum3A_453 = vector.multi_reduction <add>, %add3A_443, %reduce_sum3A_452 [1] : vector<1600x128xf32> to vector<1600xf32>
    %broadcast_in_dim3A_454 = vector.shape_cast %reduce_sum3A_453 : vector<1600xf32> to vector<1600x1xf32>
    %div3A_455 = arith.constant 1.280000e+02 : f32
    %div3A_456 = vector.broadcast %div3A_455 : f32 to vector<1600x1xf32>
    %div3A_457 = arith.divf %broadcast_in_dim3A_454, %div3A_456 : vector<1600x1xf32>
    %sub3A_458 = vector.broadcast %div3A_457 : vector<1600x1xf32> to vector<1600x128xf32>
    %sub3A_459 = arith.subf %add3A_443, %sub3A_458 : vector<1600x128xf32>
    %mul3A_460 = arith.mulf %sub3A_459, %sub3A_459 : vector<1600x128xf32>
    %reduce_sum3A_461 = arith.constant dense<0.000000e+00> : vector<1600xf32>
    %reduce_sum3A_462 = vector.multi_reduction <add>, %mul3A_460, %reduce_sum3A_461 [1] : vector<1600x128xf32> to vector<1600xf32>
    %broadcast_in_dim3A_463 = vector.shape_cast %reduce_sum3A_462 : vector<1600xf32> to vector<1600x1xf32>
    %div3A_464 = arith.constant 1.280000e+02 : f32
    %div3A_465 = vector.broadcast %div3A_464 : f32 to vector<1600x1xf32>
    %div3A_466 = arith.divf %broadcast_in_dim3A_463, %div3A_465 : vector<1600x1xf32>
    %add3A_467 = arith.constant 9.99999974E-6 : f32
    %add3A_468 = vector.broadcast %add3A_467 : f32 to vector<1600x1xf32>
    %add3A_469 = arith.addf %div3A_466, %add3A_468 : vector<1600x1xf32>
    %rsqrt3A_470 = math.rsqrt %add3A_469 : vector<1600x1xf32>
    %mul3A_471 = vector.broadcast %rsqrt3A_470 : vector<1600x1xf32> to vector<1600x128xf32>
    %mul3A_472 = arith.mulf %sub3A_459, %mul3A_471 : vector<1600x128xf32>
    %broadcast_in_dim3A_473 = vector.shape_cast %get3A_447 : vector<128xf32> to vector<1x128xf32>
    %mul3A_474 = vector.broadcast %broadcast_in_dim3A_473 : vector<1x128xf32> to vector<1600x128xf32>
    %mul3A_475 = arith.mulf %mul3A_472, %mul3A_474 : vector<1600x128xf32>
    %broadcast_in_dim3A_476 = vector.shape_cast %get3A_451 : vector<128xf32> to vector<1x128xf32>
    %add3A_477 = vector.broadcast %broadcast_in_dim3A_476 : vector<1x128xf32> to vector<1600x128xf32>
    %add3A_478 = arith.addf %mul3A_475, %add3A_477 : vector<1600x128xf32>
    %get3A_479 = arith.constant 1 : index
    %get3A_480 = arith.constant 0 : index
    %get3A_481 = arith.constant 0 : index
    %get3A_482 = vector.load %arg6[%get3A_479, %get3A_480, %get3A_481] : memref<2x128x128xbf16, #tpu.memory_space<vmem>>, vector<1x128x128xbf16>
    %get3A_483 = vector.shape_cast %get3A_482 : vector<1x128x128xbf16> to vector<128x128xbf16>
    %convert_element_type3A_484 = arith.truncf %add3A_478 : vector<1600x128xf32> to vector<1600x128xbf16>
    %dot_general3A_485 = arith.constant dense<0.000000e+00> : vector<1600x128xf32>
    %dot_general3A_486 = tpu.matmul %convert_element_type3A_484, %get3A_483, %dot_general3A_485 {dimension_numbers = #tpu.dot_dimension_numbers<[1], [0], [0], [1], [0, 0, 1, 1], [], []>, transpose_lhs_hint = false} : vector<1600x128xbf16>, vector<128x128xbf16>, vector<1600x128xf32> -> vector<1600x128xf32>
    %get3A_487 = arith.constant 18 : index
    %get3A_488 = arith.constant 0 : index
    %get3A_489 = vector.load %arg8[%get3A_487, %get3A_488] : memref<22x128xf32, #tpu.memory_space<vmem>>, vector<1x128xf32>
    %get3A_490 = vector.shape_cast %get3A_489 : vector<1x128xf32> to vector<128xf32>
    %broadcast_in_dim3A_491 = vector.shape_cast %get3A_490 : vector<128xf32> to vector<1x128xf32>
    %add3A_492 = vector.broadcast %broadcast_in_dim3A_491 : vector<1x128xf32> to vector<1600x128xf32>
    %add3A_493 = arith.addf %dot_general3A_486, %add3A_492 : vector<1600x128xf32>
    %max3A_494 = arith.constant 0.000000e+00 : f32
    %max3A_495 = vector.broadcast %max3A_494 : f32 to vector<1600x128xf32>
    %max3A_496 = arith.maximumf %add3A_493, %max3A_495 : vector<1600x128xf32>
    %get3A_497 = arith.constant 1 : index
    %get3A_498 = arith.constant 0 : index
    %get3A_499 = arith.constant 0 : index
    %get3A_500 = vector.load %arg7[%get3A_497, %get3A_498, %get3A_499] : memref<2x128x128xbf16, #tpu.memory_space<vmem>>, vector<1x128x128xbf16>
    %get3A_501 = vector.shape_cast %get3A_500 : vector<1x128x128xbf16> to vector<128x128xbf16>
    %convert_element_type3A_502 = arith.truncf %max3A_496 : vector<1600x128xf32> to vector<1600x128xbf16>
    %dot_general3A_503 = arith.constant dense<0.000000e+00> : vector<1600x128xf32>
    %dot_general3A_504 = tpu.matmul %convert_element_type3A_502, %get3A_501, %dot_general3A_503 {dimension_numbers = #tpu.dot_dimension_numbers<[1], [0], [0], [1], [0, 0, 1, 1], [], []>, transpose_lhs_hint = false} : vector<1600x128xbf16>, vector<128x128xbf16>, vector<1600x128xf32> -> vector<1600x128xf32>
    %get3A_505 = arith.constant 19 : index
    %get3A_506 = arith.constant 0 : index
    %get3A_507 = vector.load %arg8[%get3A_505, %get3A_506] : memref<22x128xf32, #tpu.memory_space<vmem>>, vector<1x128xf32>
    %get3A_508 = vector.shape_cast %get3A_507 : vector<1x128xf32> to vector<128xf32>
    %broadcast_in_dim3A_509 = vector.shape_cast %get3A_508 : vector<128xf32> to vector<1x128xf32>
    %add3A_510 = vector.broadcast %broadcast_in_dim3A_509 : vector<1x128xf32> to vector<1600x128xf32>
    %add3A_511 = arith.addf %dot_general3A_504, %add3A_510 : vector<1600x128xf32>
    %add3A_512 = arith.addf %add3A_511, %add3A_478 : vector<1600x128xf32>
    %get3A_513 = arith.constant 20 : index
    %get3A_514 = arith.constant 0 : index
    %get3A_515 = vector.load %arg8[%get3A_513, %get3A_514] : memref<22x128xf32, #tpu.memory_space<vmem>>, vector<1x128xf32>
    %get3A_516 = vector.shape_cast %get3A_515 : vector<1x128xf32> to vector<128xf32>
    %get3A_517 = arith.constant 21 : index
    %get3A_518 = arith.constant 0 : index
    %get3A_519 = vector.load %arg8[%get3A_517, %get3A_518] : memref<22x128xf32, #tpu.memory_space<vmem>>, vector<1x128xf32>
    %get3A_520 = vector.shape_cast %get3A_519 : vector<1x128xf32> to vector<128xf32>
    %reduce_sum3A_521 = arith.constant dense<0.000000e+00> : vector<1600xf32>
    %reduce_sum3A_522 = vector.multi_reduction <add>, %add3A_512, %reduce_sum3A_521 [1] : vector<1600x128xf32> to vector<1600xf32>
    %broadcast_in_dim3A_523 = vector.shape_cast %reduce_sum3A_522 : vector<1600xf32> to vector<1600x1xf32>
    %div3A_524 = arith.constant 1.280000e+02 : f32
    %div3A_525 = vector.broadcast %div3A_524 : f32 to vector<1600x1xf32>
    %div3A_526 = arith.divf %broadcast_in_dim3A_523, %div3A_525 : vector<1600x1xf32>
    %sub3A_527 = vector.broadcast %div3A_526 : vector<1600x1xf32> to vector<1600x128xf32>
    %sub3A_528 = arith.subf %add3A_512, %sub3A_527 : vector<1600x128xf32>
    %mul3A_529 = arith.mulf %sub3A_528, %sub3A_528 : vector<1600x128xf32>
    %reduce_sum3A_530 = arith.constant dense<0.000000e+00> : vector<1600xf32>
    %reduce_sum3A_531 = vector.multi_reduction <add>, %mul3A_529, %reduce_sum3A_530 [1] : vector<1600x128xf32> to vector<1600xf32>
    %broadcast_in_dim3A_532 = vector.shape_cast %reduce_sum3A_531 : vector<1600xf32> to vector<1600x1xf32>
    %div3A_533 = arith.constant 1.280000e+02 : f32
    %div3A_534 = vector.broadcast %div3A_533 : f32 to vector<1600x1xf32>
    %div3A_535 = arith.divf %broadcast_in_dim3A_532, %div3A_534 : vector<1600x1xf32>
    %add3A_536 = arith.constant 9.99999974E-6 : f32
    %add3A_537 = vector.broadcast %add3A_536 : f32 to vector<1600x1xf32>
    %add3A_538 = arith.addf %div3A_535, %add3A_537 : vector<1600x1xf32>
    %rsqrt3A_539 = math.rsqrt %add3A_538 : vector<1600x1xf32>
    %mul3A_540 = vector.broadcast %rsqrt3A_539 : vector<1600x1xf32> to vector<1600x128xf32>
    %mul3A_541 = arith.mulf %sub3A_528, %mul3A_540 : vector<1600x128xf32>
    %broadcast_in_dim3A_542 = vector.shape_cast %get3A_516 : vector<128xf32> to vector<1x128xf32>
    %mul3A_543 = vector.broadcast %broadcast_in_dim3A_542 : vector<1x128xf32> to vector<1600x128xf32>
    %mul3A_544 = arith.mulf %mul3A_541, %mul3A_543 : vector<1600x128xf32>
    %broadcast_in_dim3A_545 = vector.shape_cast %get3A_520 : vector<128xf32> to vector<1x128xf32>
    %add3A_546 = vector.broadcast %broadcast_in_dim3A_545 : vector<1x128xf32> to vector<1600x128xf32>
    %add3A_547 = arith.addf %mul3A_544, %add3A_546 : vector<1600x128xf32>
    %reshape3A_548 = vector.shape_cast %add3A_547 : vector<1600x128xf32> to vector<8x200x128xf32>
    %swap3A = arith.constant 0 : index
    %swap3A_549 = arith.constant 0 : index
    %swap3A_550 = arith.constant 0 : index
    %swap3A_551 = vector.load %arg9[%swap3A, %swap3A_549, %swap3A_550] : memref<8x200x128xf32, #tpu.memory_space<vmem>>, vector<8x200x128xf32>
    tpu.vector_store %arg9[%swap3A, %swap3A_549, %swap3A_550], %reshape3A_548 {strides = array<i32>} : memref<8x200x128xf32, #tpu.memory_space<vmem>>, vector<8x200x128xf32>,
    return
  }
  func.func @transform_0(%arg0: i32) -> (i32, i32, i32) {
    %c0_i32 = arith.constant 0 : i32
    %c0_i32_0 = arith.constant 0 : i32
    %c0_i32_1 = arith.constant 0 : i32
    return %arg0, %c0_i32, %c0_i32_0 : i32, i32, i32
  }
  func.func @transform_1(%arg0: i32) -> (i32, i32) {
    %c0_i32 = arith.constant 0 : i32
    %c0_i32_0 = arith.constant 0 : i32
    %c0_i32_1 = arith.constant 0 : i32
    return %c0_i32, %c0_i32_0 : i32, i32
  }
  func.func @transform_2(%arg0: i32) -> (i32, i32, i32) {
    %c0_i32 = arith.constant 0 : i32
    %c0_i32_0 = arith.constant 0 : i32
    %c0_i32_1 = arith.constant 0 : i32
    %c0_i32_2 = arith.constant 0 : i32
    return %c0_i32, %c0_i32_0, %c0_i32_1 : i32, i32, i32
  }
  func.func @transform_3(%arg0: i32) -> (i32, i32, i32) {
    %c0_i32 = arith.constant 0 : i32
    %c0_i32_0 = arith.constant 0 : i32
    %c0_i32_1 = arith.constant 0 : i32
    %c0_i32_2 = arith.constant 0 : i32
    return %c0_i32, %c0_i32_0, %c0_i32_1 : i32, i32, i32
  }
  func.func @transform_4(%arg0: i32) -> (i32, i32, i32) {
    %c0_i32 = arith.constant 0 : i32
    %c0_i32_0 = arith.constant 0 : i32
    %c0_i32_1 = arith.constant 0 : i32
    %c0_i32_2 = arith.constant 0 : i32
    return %c0_i32, %c0_i32_0, %c0_i32_1 : i32, i32, i32
  }
  func.func @transform_5(%arg0: i32) -> (i32, i32, i32) {
    %c0_i32 = arith.constant 0 : i32
    %c0_i32_0 = arith.constant 0 : i32
    %c0_i32_1 = arith.constant 0 : i32
    %c0_i32_2 = arith.constant 0 : i32
    return %c0_i32, %c0_i32_0, %c0_i32_1 : i32, i32, i32
  }
  func.func @transform_6(%arg0: i32) -> (i32, i32, i32) {
    %c0_i32 = arith.constant 0 : i32
    %c0_i32_0 = arith.constant 0 : i32
    %c0_i32_1 = arith.constant 0 : i32
    %c0_i32_2 = arith.constant 0 : i32
    return %c0_i32, %c0_i32_0, %c0_i32_1 : i32, i32, i32
  }
  func.func @transform_7(%arg0: i32) -> (i32, i32) {
    %c0_i32 = arith.constant 0 : i32
    %c0_i32_0 = arith.constant 0 : i32
    %c0_i32_1 = arith.constant 0 : i32
    return %c0_i32, %c0_i32_0 : i32, i32
  }
  func.func @transform_8(%arg0: i32) -> (i32, i32, i32) {
    %c0_i32 = arith.constant 0 : i32
    %c0_i32_0 = arith.constant 0 : i32
    %c0_i32_1 = arith.constant 0 : i32
    return %arg0, %c0_i32, %c0_i32_0 : i32, i32, i32
  }
}

</mosaic_0001>

<sc_bundles>
// kernel: kernel.4.cloned.1.call-start
scs
__scs_entry_jumppad:
0x0: {  	(pc) =	sbr.rel $0x88, $3  }
0x1: {  	(tag) =	ssettag $0x0;
	lr =	simm.s32 $0x1  }
0x2: {  	[smem:$0x3F84] =	sst lr;
	_ =	strace $0xD0000000  }
0x3: {  	_ = 	snop  }
0x4: {  	_ = 	snop  }
0x5: {  	_ = 	snop  }
0x6: {  	_ = 	snop  }
0x7: {  	_ = 	snop  }
__scs_overlays_trampoline_lowered:
0x8: {  	[smem:$0x3F93] =	sst s0  }
0x9: {  	[smem:$0x3F94] =	sst s1  }
0xa: {  	[smem:$0x3F95] =	sst s2  }
0xb: {  	[smem:$0x3F96] =	sst s3  }
0xc: {  	[smem:$0x3F97] =	sst s4  }
0xd: {  	[smem:$0x3F98] =	sst s5  }
0xe: {  	[smem:$0x3F99] =	sst s6  }
0xf: {  	[smem:$0x3F9A] =	sst s7  }
0x10: {  	[smem:$0x3F9B] =	sst s8  }
0x11: {  	[smem:$0x3F9C] =	sst s9;
	s0 =	simm.s32 @!p0 $0x0  }
0x12: {  	s1 =	sld [smem:$0x3F82];
	s0 =	simm.s32 @p0 $0x1  }
0x13: {  	[smem:$0x3F9D] =	sst s0;
	s0 =	simm.s32 @!p1 $0x0  }
0x14: {  	s2 =	sld [smem:$0x3F81];
	s0 =	simm.s32 @p1 $0x1  }
0x15: {  	[smem:$0x3F9E] =	sst s0;
	s0 =	simm.s32 @!p2 $0x0  }
0x16: {  	s3 =	sld [smem:$0x3FDB];
	s0 =	simm.s32 @p2 $0x1  }
0x17: {  	s4 =	simm.s32 $0x1BF5;
	[smem:$0x3FA0] =	sst s0  }
0x18: {  	s0 =	sld [smem:$0x3F83];
	_ =	swait.ge [sflag:s4], $0x0  }
0x19: {  	s7 =	sld [smem:$0x3F84]  }
0x1a: {  	s8 =	sadd.s32 $0xFFFFE003, lr  }
0x1b: {  	s9 =	sadd.s32 $0xFFFFFEF7, lr;
	s5 =	simm.s32 $0xFFFFFFFF;
	p2 =	slt.u32 s8, $0xFFFFF086  }
0x1c: {  	p1 =	slt.u32 s9, $0xF7A;
	s5 =	simm.s32 @!p2 $0x0  }
0x1d: {  	s5 =	simm.s32 @p1 $0x1;
	p0 =	seq.s32 s7, s2  }
0x1e: {  	s7 =	smul.u32 @!p0 $0xF7A, s2;
	p2 =	seq.s32 @!p0 s5, $0x0  }
0x1f: {  	s9 =	smul.u32 $0xF7A, s1;
	s8 =	simm.s32 @!p0 $0x1BF5;
	p2 =	por !p2, p0  }
0x20: {  	[sflag:s8] =	ssyncset.s32 @!p0 $0xFFFFF086;
	s6 =	sadd.s32 @!p0 s3, s7;
	s7 =	simm.s32 @!p0 $0x108  }
0x21: {  	s3 =	sadd.s32 s3, s9;
	s6 =	sadd.s32 @!p0 $0x88, s6;
	s7 =	simm.s32 @p2 $0x1082  }
0x22: {  	[simem:s7], [sflag:s8] =	dma.local @!p0 [hbm:s6], $0xF7A  }
0x23: {  	s9 =	sor.u32 $0xD0000000, s2;
	s6 =	simm.s32 $0x108;
	_ =	swait.ge @!p0 [sflag:s8], $0x0  }
0x24: {  	s3 =	sadd.s32 $0x88, s3;
	s6 =	simm.s32 @!p1 $0x1082;
	[sflag:s4] =	ssyncset.s32 $0xFFFFF086  }
0x25: {  	[simem:s6], [sflag:s4] =	dma.local [hbm:s3], $0xF7A  }
0x26: {  	[smem:$0x3F84] =	sst s1;
	(tag) =	ssettag s2;
	_ =	strace s9  }
0x27: {  	s1 =	sld [smem:$0x3F94]  }
0x28: {  	s2 =	sld [smem:$0x3F95]  }
0x29: {  	s4 =	sld [smem:$0x3F97]  }
0x2a: {  	p0 =	seq.s32 s5, $0x0;
	s5 =	sld [smem:$0x3F98]  }
0x2b: {  	s6 =	sld [smem:$0x3F99]  }
0x2c: {  	s7 =	sld [smem:$0x3F9A]  }
0x2d: {  	s3 =	simm.s32 $0x108;
	s8 =	sld [smem:$0x3F9B]  }
0x2e: {  	s3 =	simm.s32 @!p0 $0x1082;
	s9 =	sld [smem:$0x3F9C]  }
0x2f: {  	lr =	sadd.s32 s0, s3;
	s0 =	sld [smem:$0x3F93]  }
0x30: {  	s3 =	sld [smem:$0x3F96]  }
0x31: {  	[smem:$0x3F9F] =	sst s10  }
0x32: {  	s10 =	sld [smem:$0x3F9D];
	_ =	sdelay $0x3  }
0x33: {  	p0 =	seq.s32 s10, $0x1;
	s10 =	sld [smem:$0x3F9F];
	_ =	sdelay $0x3  }
0x34: {  	[smem:$0x3F9F] =	sst s10  }
0x35: {  	s10 =	sld [smem:$0x3F9E];
	_ =	sdelay $0x3  }
0x36: {  	p1 =	seq.s32 s10, $0x1;
	s10 =	sld [smem:$0x3F9F];
	_ =	sdelay $0x3  }
0x37: {  	[smem:$0x3F9F] =	sst s10  }
0x38: {  	s10 =	sld [smem:$0x3FA0]  }
0x39: {  	_ = 	snop;
	(pc) =	sbr.ind lr, $3  }
0x3a: {  	_ = 	snop  }
0x3b: {  	_ = 	snop  }
0x3c: {  	p2 =	seq.s32 s10, $0x1;
	s10 =	sld [smem:$0x3F9F]  }
0x3d: {  	_ =	shalt  }
0x3e: {  	_ =	shalt  }
0x3f: {  	_ =	shalt  }
0x40: {  	_ =	shalt  }
0x41: {  	_ =	shalt  }
0x42: {  	_ =	shalt  }
0x43: {  	_ =	shalt  }
0x44: {  	_ =	shalt  }
0x45: {  	_ =	shalt  }
0x46: {  	_ =	shalt  }
0x47: {  	_ =	shalt  }
0x48: {  	_ =	shalt  }
0x49: {  	_ =	shalt  }
0x4a: {  	_ =	shalt  }
0x4b: {  	_ =	shalt  }
0x4c: {  	_ =	shalt  }
0x4d: {  	_ =	shalt  }
0x4e: {  	_ =	shalt  }
0x4f: {  	_ =	shalt  }
0x50: {  	_ =	shalt  }
0x51: {  	_ =	shalt  }
0x52: {  	_ =	shalt  }
0x53: {  	_ =	shalt  }
0x54: {  	_ =	shalt  }
0x55: {  	_ =	shalt  }
0x56: {  	_ =	shalt  }
0x57: {  	_ =	shalt  }
0x58: {  	_ =	shalt  }
0x59: {  	_ =	shalt  }
0x5a: {  	_ =	shalt  }
0x5b: {  	_ =	shalt  }
0x5c: {  	_ =	shalt  }
0x5d: {  	_ =	shalt  }
0x5e: {  	_ =	shalt  }
0x5f: {  	_ =	shalt  }
0x60: {  	_ =	shalt  }
0x61: {  	_ =	shalt  }
0x62: {  	_ =	shalt  }
0x63: {  	_ =	shalt  }
0x64: {  	_ =	shalt  }
0x65: {  	_ =	shalt  }
0x66: {  	_ =	shalt  }
0x67: {  	_ =	shalt  }
0x68: {  	_ =	shalt  }
0x69: {  	_ =	shalt  }
0x6a: {  	_ =	shalt  }
0x6b: {  	_ =	shalt  }
0x6c: {  	_ =	shalt  }
0x6d: {  	_ =	shalt  }
0x6e: {  	_ =	shalt  }
0x6f: {  	_ =	shalt  }
0x70: {  	_ =	shalt  }
0x71: {  	_ =	shalt  }
0x72: {  	_ =	shalt  }
0x73: {  	_ =	shalt  }
0x74: {  	_ =	shalt  }
0x75: {  	_ =	shalt  }
0x76: {  	_ =	shalt  }
0x77: {  	_ =	shalt  }
0x78: {  	_ =	shalt  }
0x79: {  	_ =	shalt  }
0x7a: {  	_ =	shalt  }
0x7b: {  	_ =	shalt  }
0x7c: {  	_ =	shalt  }
0x7d: {  	_ =	shalt  }
0x7e: {  	_ =	shalt  }
0x7f: {  	_ =	shalt  }
0x80: {  	_ =	shalt  }
0x81: {  	_ =	shalt  }
0x82: {  	_ =	shalt  }
0x83: {  	_ =	shalt  }
0x84: {  	_ =	shalt  }
0x85: {  	_ =	shalt  }
0x86: {  	_ =	shalt  }
0x87: {  	_ =	shalt  }
.Lfunc_end0:
.L_simem_size_0:
called_computation_lowered:
.L_overlay_start_0:
0x88: {  	s2 =	sld [smem:$0x3FD9]  }
0x89: {  	s3 =	sld [smem:$0x3FFE];
	_ =	sdelay $0x1  }
0x8a: {  	s1 =	srdreg.scid  }
0x8b: {  	s0 =	sand.u32 $0x1, s1  }
0x8c: {  	s17 =	sshll.u32 s0, $0xA;
	s2 =	sadd.s32 s3, s2  }
0x8d: {  	s2 =	sadd.s32 s2, s17  }
0x8e: {  	[smem:$0x3FAB] =	sst s2  }
0x8f: {  	_ = 	snop  }
0x90: {  	s2 =	sld [smem:$0x3FB0]  }
0x91: {  	s18 =	sld [smem:$0x3FD0];
	(tm) =	ssettm $0x1  }
0x92: {  	s4 =	sld [smem:$0x3FFB];
	_ =	sdelay $0x3  }
0x93: {  	_ =	strace s4  }
0x94: {  	s4 =	sld [smem:$0x3FFC];
	_ =	sdelay $0x3  }
0x95: {  	_ =	strace s4  }
0x96: {  	s4 =	sld [smem:$0x3FFD];
	_ =	sdelay $0x3  }
0x97: {  	_ =	strace s4  }
0x98: {  	_ =	strace $0x8FFFFFFF  }
0x99: {  	s19 =	sld [smem:$0x3FDB];
	_ =	sdelay $0x1  }
0x9a: {  	s5 =	simm.s32 $_scs_section_size  }
0x9b: {  	s6 =	simm.s32 $_size__tile_overlayer_lowered;
	s7 =	simm.s32 $_tile_overlayer_lowered  }
0x9c: {  	s22 =	simm.s32 $0x1BFF;
	s21 =	sshll.u32 s7, $0x1;
	s4 =	sadd.s32 s5, s19  }
0x9d: {  	s8 =	simm.s32 $0x0;
	s20 =	sshll.u32 s6, $0x1;
	s6 =	sadd.s32 s21, s4  }
0x9e: {  	[timem:s8], [sflag:s22] =	dma.local [hbm:s6], s20  }
0x9f: {  	_ =	swait.ge [sflag:s22], s20  }
0xa0: {  	s5 =	ssub.s32 $0x0, s20;
	[sflag:s22] =	ssyncset.done $0x0  }
0xa1: {  	[sflag:s22] =	ssyncadd.s32 s5;
	_ =	sdelay $0x1  }
0xa2: {  	s23 =	simm.s32 $0x1B8B  }
0xa3: {  	_ =	swait.ge [sflag:s23], $0x1  }
0xa4: {  	[sflag:s23] =	ssyncset.done $0x0  }
0xa5: {  	s25 =	simm.s32 $0x1B8E;
	s24 =	sld [smem:$0x3FFE];
	[sflag:s23] =	ssyncadd.s32 $0xFFFFFFFF  }
0xa6: {  	s26 =	simm.s32 $execute0_lowered;
	[smem:$0x3FD2] =	sst s25  }
0xa7: {  	s6 =	sshll.u32 s26, $0x1;
	_ =	strace $0x80000046;
	[dreg:$0x1] =	wrdreg $0xFFFFFFFF  }
0xa8: {  	s28 =	simm.s32 $_size_execute0_lowered;
	s4 =	sadd.s32 s4, s6;
	[dreg:$0x0] =	wrdreg $0x0  }
0xa9: {  	s6 =	sshll.u32 s28, $0x1;
	[dreg:$0x2] =	wrdreg s4  }
0xaa: {  	[dreg:$0x3] =	wrdreg s6  }
0xab: {  	[dreg:$0x4] =	wrdreg $0xC0  }
0xac: {  	_ =	task [dreg:s8], $0x5FFFF  }
0xad: {  	[dreg:$0x1] =	wrdreg $0xFFFFFFFF  }
0xae: {  	[dreg:$0x0] =	wrdreg $0x60  }
0xaf: {  	[dreg:$0x2] =	wrdreg s2  }
0xb0: {  	[dreg:$0x3] =	wrdreg s18  }
0xb1: {  	[dreg:$0x4] =	wrdreg s24  }
0xb2: {  	[dreg:$0x5] =	wrdreg $0x9  }
0xb3: {  	_ =	task.clear_ibuf [dreg:s8], $0x6FFFF;
	_ =	strace $0x90000046  }
0xb4: {  	s29 =	simm.s32 $0x9;
	_ =	strace $0x80000048  }
0xb5: {  	_ =	swait.ge [sflag:s29], $0x1  }
0xb6: {  	[sflag:s29] =	ssyncadd.s32 $0xFFFFFFFF  }
0xb7: {  	_ =	strace $0x90000048  }
0xb8: {  	_ =	sfence  }
0xb9: {  	s30 =	sld [smem:$0x0];
	_ =	sdelay $0x2  }
0xba: {  	s31 =	sshll.u32 s1, $0xD;
	s1 =	sshrl.u32 s1, $0x2  }
0xbb: {  	s3 =	sand.u32 $0x4000, s31;
	s1 =	sadd.s32 s1, s30  }
0xbc: {  	s0 =	sor.u32 s3, s0;
	s1 =	sshll.u32 s1, $0x11  }
0xbd: {  	s0 =	sor.u32 s1, s0  }
0xbe: {  	s0 =	sadd.s32 $0x8F2B, s0  }
0xbf: {  	[sflag:s0] =	ssyncadd.remote.s32 $0x1  }
0xc0: {  	_ =	sfence.sel $0xFFFF  }
0xc1: {  	[dreg:$0x0] =	wrdreg $0xFFFFFFFF;
	(pc) =	sbr.abs _section_cstart, $3  }
0xc2: {  	[dreg:$0x1] =	wrdreg $0xFFFFFFFF  }
0xc3: {  	_ =	task.clear_ibuf [dreg:s8], $0x2FFFF;
	_ =	strace $0x9FFFFFFF  }
0xc4: {  	(tm) =	ssettm $0x7FFFFFFF  }
0xc5: {  	_ =	shalt  }
tec
execute0_lowered:
.L_overlay_start_1:
0x0: {  	(tag) =	ssettag $0x1  }
0x1: {  	s2 =	rddreg [dreg:$0x0]  }
0x2: {  	s6 =	rddreg [dreg:$0x1]  }
0x3: {  	s4 =	rddreg [dreg:$0x2]  }
0x4: {  	s0 =	rddreg [dreg:$0x3];
	s1 =	stileid.u32  }
0x5: {  	s7 =	srdreg.scid;
	s5 =	smul.u32 $0x32000, s1  }
0x6: {  	s3 =	simm.s32 $0x0;
	s7 =	sand.u32 $0x1, s7;
	s8 =	smul.u32 $0x3200, s1  }
0x7: {  	[smem:$0x7FF] =	sst s3;
	s9 =	ssub.s32 $0x2, s7;
	s10 =	smul.u32 $0x1900, s7  }
0x8: {  	s7 =	smul.u32 $0x19000, s7;
	_ =	strace $0x80000047;
	s30 =	sshrl.u32 s9, $0x1  }
0x9: {  	s5 =	sadd.s32 s5, s4;
	s4 =	ssub.s32 s9, s30;
	s8 =	sadd.s32 s10, s8  }
0xa: {  	s5 =	sadd.s32 s7, s5;
	s7 =	simm.s32 $0x2;
	s9 =	simm.s32 $0x1  }
0xb: {  	s10 =	simm.s32 $0x0;
	s4 =	smax.u32 s4, $0x1;
	s31 =	sshrl.u32 s8, $0x3  }
0xc: {  	s5 =	sadd.s32 $0x4000, s5;
	s8 =	simm.s32 $0x100;
	s6 =	sadd.s32 s31, s6  }
.LBB2_1:
0xd: {  	s11 =	sadd.s32 $0x0, s6  }
0xe: {  	[tilespmem:s3], [sflag:$0x2] =	stream.linear.gather [hbm4b:s11+s3], $0x100, $0x38;
	[tilespmem:$0x8100] =	vst v63  }
0xf: {  	_ =	swait.ge [sflag:s7], $0x100  }
0x10: {  	[sflag:s7] =	ssyncset.done $0x0  }
0x11: {  	[sflag:s7] =	ssyncadd.s32 $0xFFFFFF00  }
0x12: {  	[tilespmem:s8], [sflag:$0x1] =	stream.indirect.gather [hbm4b:s2+s8], $0x80, s3, s8, $0xb8;
	[tilespmem:$0x8100] =	vst v63  }
0x13: {  	_ =	swait.ge [sflag:s9], $0x8000  }
0x14: {  	[sflag:s9] =	ssyncset.done $0x0  }
0x15: {  	[sflag:s9] =	ssyncadd.s32 $0xFFFF8000  }
0x16: {  	[hbm4b:s5+s3] =	stream.linear.scatter [tilespmem:s8], [sflag:$0x2], $0x8000, $0x38;
	[tilespmem:$0x8100] =	vst v63  }
0x17: {  	s12 =	simm.s32 $0x20;
	_ =	swait.ge [sflag:s7], $0x8000  }
0x18: {  	s13 =	simm.s32 $0x40;
	s11 =	sadd.s32 $0x1000, s5;
	[sflag:s7] =	ssyncset.done $0x0  }
.LBB2_2:
0x19: {  	s14 =	sadd.s32 s12, s6  }
0x1a: {  	[sflag:s7] =	ssyncadd.s32 $0xFFFF8000;
	s12 =	smov.u32 s13;
	s15 =	sadd.s32 $0x20, s13  }
0x1b: {  	[tilespmem:s3], [sflag:$0x2] =	stream.linear.gather [hbm4b:s14+s3], $0x100, $0x38;
	[tilespmem:$0x8100] =	vst v63  }
0x1c: {  	p0 =	sne.s32 s13, $0x300;
	_ =	swait.ge [sflag:s7], $0x100  }
0x1d: {  	[sflag:s7] =	ssyncset.done $0x0  }
0x1e: {  	[sflag:s7] =	ssyncadd.s32 $0xFFFFFF00  }
0x1f: {  	[tilespmem:s8], [sflag:$0x1] =	stream.indirect.gather [hbm4b:s2+s8], $0x80, s3, s8, $0xb8;
	[tilespmem:$0x8100] =	vst v63  }
0x20: {  	_ =	swait.ge [sflag:s9], $0x8000  }
.Ltmp0:
0x21: {  	[sflag:s9] =	ssyncset.done $0x0;
	(pc) =	sbr.rel @p0 .LBB2_2-.Ltmp0, $4  }
0x22: {  	[sflag:s9] =	ssyncadd.s32 $0xFFFF8000  }
0x23: {  	[hbm4b:s11+s3] =	stream.linear.scatter [tilespmem:s8], [sflag:$0x2], $0x8000, $0x38;
	[tilespmem:$0x8100] =	vst v63  }
0x24: {  	_ =	swait.ge [sflag:s7], $0x8000  }
0x25: {  	s13 =	smov.u32 s15;
	s11 =	sadd.s32 $0x1000, s11;
	[sflag:s7] =	ssyncset.done $0x0  }
0x26: {  	s12 =	sadd.s32 s12, s6;
	[sflag:s7] =	ssyncadd.s32 $0xFFFF8000  }
0x27: {  	[tilespmem:s3], [sflag:$0x2] =	stream.linear.gather [hbm4b:s12+s3], $0x100, $0x38;
	[tilespmem:$0x8100] =	vst v63  }
0x28: {  	_ =	swait.ge [sflag:s7], $0x100  }
0x29: {  	[sflag:s7] =	ssyncset.done $0x0  }
0x2a: {  	[sflag:s7] =	ssyncadd.s32 $0xFFFFFF00  }
0x2b: {  	[tilespmem:s8], [sflag:$0x1] =	stream.indirect.gather [hbm4b:s2+s8], $0x80, s3, s8, $0xb8;
	[tilespmem:$0x8100] =	vst v63  }
0x2c: {  	s10 =	sadd.s32 $0x1, s10;
	_ =	swait.ge [sflag:s9], $0x8000  }
0x2d: {  	p0 =	sne.s32 s10, s4;
	[sflag:s9] =	ssyncset.done $0x0  }
.Ltmp1:
0x2e: {  	[sflag:s9] =	ssyncadd.s32 $0xFFFF8000;
	(pc) =	sbr.rel @p0 .LBB2_1-.Ltmp1, $4  }
0x2f: {  	[hbm4b:s11+s3] =	stream.linear.scatter [tilespmem:s8], [sflag:$0x2], $0x8000, $0x38;
	[tilespmem:$0x8100] =	vst v63  }
0x30: {  	_ =	swait.ge [sflag:s7], $0x8000  }
0x31: {  	[sflag:s7] =	ssyncset.done $0x0  }
0x32: {  	[sflag:s7] =	ssyncadd.s32 $0xFFFF8000  }
0x33: {  	_ =	sfence.sel $0x180000  }
0x34: {  	[bflag:$0x0] =	sbarrier.arrive $0xFFFF  }
0x35: {  	p0 =	sne.s32 s1, $0x0;
	_ =	strace $0x90000047  }
0x36: {  	s0 =	sadd.s32 @!p0 $0x100000, s0;
	[bflag:$0x2] =	sbarrier.arrive $0xFFFF  }
0x37: {  	[sflag:s0] =	ssyncadd.tile.s32 @!p0 $0x1;
	_ =	shalt  }
.Lfunc_end2:
_tile_overlayer_lowered:
.L_overlay_start_2:
0x38: {  	(tag) =	ssettag $0x2  }
0x39: {  	s0 =	rddreg [dreg:$0x0];
	s2 =	stileid.u32  }
0x3a: {  	s1 =	rddreg [dreg:$0x1];
	p0 =	sne.s32 s2, $0x0  }
0x3b: {  	s3 =	rddreg [dreg:$0x2];
	[bflag:$0x3] =	sbarrier.arrive $0xFFFF;
	s2 =	simm.s32 @!p0 $0x1C02  }
0x3c: {  	[timem:s3], [sflag:s2] =	dma.local @!p0 [hbm:s0], s1  }
0x3d: {  	s0 =	simm.s32 @!p0 $0x2  }
0x3e: {  	_ =	swait.ge @!p0 [sflag:s0], s1  }
0x3f: {  	s1 =	ssub.s32 @!p0 $0x0, s1;
	[sflag:s0] =	ssyncset.done @!p0 $0x0  }
0x40: {  	[sflag:s0] =	ssyncadd.s32 @!p0 s1  }
0x41: {  	[bflag:$0x3] =	sbarrier.arrive $0xFFFF  }
0x42: {  	_ =	shalt  }

</sc_bundles>
